<compile_context>
chip_gen: v7x
topology: tpu7x:2x2x1
jax: 0.10.2.dev20260603
libtpu: 0.0.44.dev20260713+nightly
codegen_flags: <defaults>
</compile_context>

<pallas_src>
import functools

import jax
import jax.numpy as jnp
from jax import lax
from jax.experimental import pallas as pl
from jax.experimental.pallas import tpu as pltpu
from jax.experimental.pallas import tpu_sc as plsc

S = 2048
H = 1024
I = 384
NS = 2
E = 8
K = 2
BLK = 512
NPAIR = S * K
NPOS = 8192
NBLK = NPOS // BLK
TBLK = 256
LANES = 128

SC_CORES = 2
SC_SUBCORES = 16
NW = SC_CORES * SC_SUBCORES
PAIRS_PER_W = NPAIR // NW
SC_CHUNK = 32
SC_NCHUNK = PAIRS_PER_W // SC_CHUNK
SC_SLOTS = 3


def _dispatch_body(x_ref, rw_ref, rb_ref,
                   pos1_ref, pos2_ref, w1_ref, w2_ref, usage_ref, eid_ref,
                   used_ref):
    x = x_ref[...]
    rw = rw_ref[...]
    lg = lax.dot_general(rw, x, (((1,), (1,)), ((), ())),
                         preferred_element_type=jnp.float32)
    sig = jax.nn.sigmoid(lg + rb_ref[...])
    rowf = lax.broadcasted_iota(jnp.int32, (E, S), 0).astype(jnp.float32)

    m1 = jnp.max(sig, axis=0, keepdims=True)
    i1 = jnp.min(jnp.where(sig == m1, rowf, 1e9), axis=0, keepdims=True)
    oh1 = (rowf == i1)
    s2 = jnp.where(oh1, -1.0, sig)
    m2 = jnp.max(s2, axis=0, keepdims=True)
    i2 = jnp.min(jnp.where(s2 == m2, rowf, 1e9), axis=0, keepdims=True)
    oh2 = (rowf == i2)

    den = m1 + m2
    w1_ref[...] = m1 / den
    w2_ref[...] = m2 / den

    cnt = oh1.astype(jnp.float32) + oh2.astype(jnp.float32)
    count = jnp.sum(cnt, axis=1, keepdims=True)
    usage_ref[...] = count

    ci = count.astype(jnp.int32)
    pc = (((ci + BLK - 1) // BLK) * BLK).astype(jnp.float32)
    ea = lax.broadcasted_iota(jnp.int32, (E, E), 0)
    eb = lax.broadcasted_iota(jnp.int32, (E, E), 1)
    lowE = (eb < ea).astype(jnp.float32)
    seg = lax.dot_general(lowE, pc, (((1,), (0,)), ((), ())),
                          preferred_element_type=jnp.float32)

    bstart = (lax.broadcasted_iota(jnp.int32, (1, 64), 1)
              * BLK).astype(jnp.float32)
    started = jnp.where(seg <= bstart, 1.0, 0.0)
    eid_ref[...] = jnp.sum(started, axis=0, keepdims=True) - 1.0
    total = jnp.sum(pc, axis=0, keepdims=True)
    used_ref[...] = jnp.where(bstart < total, 1.0, 0.0)

    CH = 512
    ca = lax.broadcasted_iota(jnp.int32, (CH, CH), 0)
    cb = lax.broadcasted_iota(jnp.int32, (CH, CH), 1)
    upC = (ca < cb).astype(jnp.float32)
    carry = jnp.zeros((E, 1), jnp.float32)
    for c in range(S // CH):
        cc = lax.slice(cnt, (0, c * CH), (E, (c + 1) * CH))
        intra = lax.dot_general(cc, upC, (((1,), (0,)), ((), ())),
                                preferred_element_type=jnp.float32)
        rank = intra + carry + seg
        carry = carry + jnp.sum(cc, axis=1, keepdims=True)
        o1 = lax.slice(oh1, (0, c * CH), (E, (c + 1) * CH))
        o2 = lax.slice(oh2, (0, c * CH), (E, (c + 1) * CH))
        sl = slice(c * CH, (c + 1) * CH)
        pos1_ref[:, sl] = jnp.sum(rank * o1, axis=0, keepdims=True)
        pos2_ref[:, sl] = jnp.sum(rank * o2, axis=0, keepdims=True)


def _dispatch(x2, rw, rb):
    return pl.pallas_call(
        _dispatch_body,
        out_shape=[
            jax.ShapeDtypeStruct((1, S), jnp.float32),
            jax.ShapeDtypeStruct((1, S), jnp.float32),
            jax.ShapeDtypeStruct((1, S), jnp.float32),
            jax.ShapeDtypeStruct((1, S), jnp.float32),
            jax.ShapeDtypeStruct((E, 1), jnp.float32),
            jax.ShapeDtypeStruct((1, 64), jnp.float32),
            jax.ShapeDtypeStruct((1, 64), jnp.float32),
        ],
        scratch_shapes=[],
    )(x2, rw, rb)


def _sc_scatter_body(x_hbm, pos_hbm, xg_hbm,
                     r0, r1, r2, i0, i1, i2, ld0, ld1, ld2, st0, st1, st2):
    rows = (r0, r1, r2)
    idxs = (i0, i1, i2)
    lds = (ld0, ld1, ld2)
    sts = (st0, st1, st2)
    wid = lax.axis_index("s") * SC_CORES + lax.axis_index("c")
    p0 = wid * PAIRS_PER_W

    ld_h = {}
    st_h = {}

    def start_loads(ch, sl):
        pc0 = p0 + ch * SC_CHUNK
        rc0 = lax.rem(pc0, S)
        ld_h[ch] = (
            pltpu.async_copy(pos_hbm.at[pl.ds(pc0, SC_CHUNK)], idxs[sl], lds[sl]),
            pltpu.async_copy(x_hbm.at[pl.ds(rc0, SC_CHUNK)], rows[sl], lds[sl]),
        )

    for ch in range(min(SC_SLOTS, SC_NCHUNK)):
        start_loads(ch, ch)
    for ch in range(SC_NCHUNK):
        sl = ch % SC_SLOTS
        ld_h[ch][0].wait()
        ld_h[ch][1].wait()
        st_h[ch] = pltpu.async_copy(rows[sl], xg_hbm.at[idxs[sl]], sts[sl])
        nxt = ch + SC_SLOTS
        if nxt < SC_NCHUNK:
            st_h[ch].wait()
            st_h.pop(ch)
            start_loads(nxt, sl)
    for ch in sorted(st_h):
        st_h[ch].wait()


def _sc_scatter(x2, pos_flat):
    k = functools.partial(
        pl.kernel,
        mesh=plsc.VectorSubcoreMesh(core_axis_name="c", subcore_axis_name="s"),
        out_type=jax.ShapeDtypeStruct((NPOS, H), jnp.float32),
        scratch_types=(
            [pltpu.VMEM((SC_CHUNK, H), jnp.float32)] * SC_SLOTS
            + [pltpu.VMEM((SC_CHUNK,), jnp.int32)] * SC_SLOTS
            + [pltpu.SemaphoreType.DMA] * (2 * SC_SLOTS)
        ),
    )(_sc_scatter_body)
    return k(x2, pos_flat)


def _swiglu(xb, gw, uw, dw):
    g = lax.dot_general(xb, gw, (((1,), (1,)), ((), ())),
                        preferred_element_type=jnp.float32)
    u = lax.dot_general(xb, uw, (((1,), (1,)), ((), ())),
                        preferred_element_type=jnp.float32)
    h = (g * jax.nn.sigmoid(g)) * u
    return lax.dot_general(h.astype(dw.dtype), dw, (((1,), (1,)), ((), ())),
                           preferred_element_type=jnp.float32)


def _gmm_body(eid_ref, used_ref, xg_ref, g_ref, u_ref, d_ref, o_ref):
    b = pl.program_id(0)

    @pl.when(used_ref[b] > 0)
    def _():
        o_ref[...] = _swiglu(xg_ref[...], g_ref[0], u_ref[0], d_ref[0])


def _gmm(eid_i, used_i, xg, rg, ru, rd):
    grid_spec = pltpu.PrefetchScalarGridSpec(
        num_scalar_prefetch=2,
        grid=(NBLK,),
        in_specs=[
            pl.BlockSpec((BLK, H), lambda b, eid, used: (b, 0)),
            pl.BlockSpec((1, I, H), lambda b, eid, used: (eid[b], 0, 0)),
            pl.BlockSpec((1, I, H), lambda b, eid, used: (eid[b], 0, 0)),
            pl.BlockSpec((1, H, I), lambda b, eid, used: (eid[b], 0, 0)),
        ],
        out_specs=pl.BlockSpec((BLK, H), lambda b, eid, used: (b, 0)),
    )
    return pl.pallas_call(
        _gmm_body,
        grid_spec=grid_spec,
        out_shape=jax.ShapeDtypeStruct((NPOS, H), jnp.float32),
    )(eid_i, used_i, xg, rg, ru, rd)


def _sc_gather_body(yg_hbm, pos_hbm, yq_hbm,
                    r0, r1, r2, i0, i1, i2, ld0, ld1, ld2, st0, st1, st2):
    rows = (r0, r1, r2)
    idxs = (i0, i1, i2)
    lds = (ld0, ld1, ld2)
    sts = (st0, st1, st2)
    wid = lax.axis_index("s") * SC_CORES + lax.axis_index("c")
    p0 = wid * PAIRS_PER_W

    idx_h = {}
    g_h = {}
    st_h = {}

    def start_idx(ch, sl):
        pc0 = p0 + ch * SC_CHUNK
        idx_h[ch] = pltpu.async_copy(pos_hbm.at[pl.ds(pc0, SC_CHUNK)],
                                     idxs[sl], lds[sl])

    for ch in range(min(SC_SLOTS, SC_NCHUNK)):
        start_idx(ch, ch)
    for ch in range(SC_NCHUNK):
        sl = ch % SC_SLOTS
        idx_h[ch].wait()
        g_h[ch] = pltpu.async_copy(yg_hbm.at[idxs[sl]], rows[sl], lds[sl])
        g_h[ch].wait()
        pc0 = p0 + ch * SC_CHUNK
        st_h[ch] = pltpu.async_copy(rows[sl], yq_hbm.at[pl.ds(pc0, SC_CHUNK)],
                                    sts[sl])
        nxt = ch + SC_SLOTS
        if nxt < SC_NCHUNK:
            st_h[ch].wait()
            st_h.pop(ch)
            start_idx(nxt, sl)
    for ch in sorted(st_h):
        st_h[ch].wait()


def _sc_gather(yg, pos_flat):
    k = functools.partial(
        pl.kernel,
        mesh=plsc.VectorSubcoreMesh(core_axis_name="c", subcore_axis_name="s"),
        out_type=jax.ShapeDtypeStruct((NPAIR, H), jnp.float32),
        scratch_types=(
            [pltpu.VMEM((SC_CHUNK, H), jnp.float32)] * SC_SLOTS
            + [pltpu.VMEM((SC_CHUNK,), jnp.int32)] * SC_SLOTS
            + [pltpu.SemaphoreType.DMA] * (2 * SC_SLOTS)
        ),
    )(_sc_gather_body)
    return k(yg, pos_flat)


def _shared_body(x_ref, g_ref, u_ref, d_ref, o_ref):
    o_ref[...] = _swiglu(x_ref[...], g_ref[...], u_ref[...], d_ref[...])


def _shared(x2, G, U, D):
    nb = S // TBLK
    return pl.pallas_call(
        _shared_body,
        grid=(nb,),
        in_specs=[
            pl.BlockSpec((TBLK, H), lambda b: (b, 0)),
            pl.BlockSpec((NS * I, H), lambda b: (0, 0)),
            pl.BlockSpec((NS * I, H), lambda b: (0, 0)),
            pl.BlockSpec((H, NS * I), lambda b: (0, 0)),
        ],
        out_specs=pl.BlockSpec((TBLK, H), lambda b: (b, 0)),
        out_shape=jax.ShapeDtypeStruct((S, H), jnp.float32),
    )(x2, G, U, D)


def _combine_body(sh_ref, y1_ref, y2_ref, w1_ref, w2_ref, o_ref):
    o_ref[...] = (sh_ref[...]
                  + w1_ref[...] * y1_ref[...]
                  + w2_ref[...] * y2_ref[...])


def _combine(sh, yq, w1, w2):
    nb = S // TBLK
    return pl.pallas_call(
        _combine_body,
        grid=(nb,),
        in_specs=[
            pl.BlockSpec((TBLK, H), lambda b: (b, 0)),
            pl.BlockSpec((TBLK, H), lambda b: (b, 0)),
            pl.BlockSpec((TBLK, H), lambda b: (b + nb, 0)),
            pl.BlockSpec((TBLK, 1), lambda b: (b, 0)),
            pl.BlockSpec((TBLK, 1), lambda b: (b, 0)),
        ],
        out_specs=pl.BlockSpec((TBLK, H), lambda b: (b, 0)),
        out_shape=jax.ShapeDtypeStruct((S, H), jnp.float32),
    )(sh, yq, yq, w1, w2)


def kernel(x, shared_gate, shared_up, shared_down,
           routed_gate, routed_up, routed_down, router_w, router_bias):
    x2 = x.reshape(S, H)
    rb2 = router_bias.reshape(E, 1)
    G = shared_gate.reshape(NS * I, H)
    U = shared_up.reshape(NS * I, H)
    D = jnp.moveaxis(shared_down, 0, 1).reshape(H, NS * I)

    pos1, pos2, w1, w2, usage, eid, used = _dispatch(x2, router_w, rb2)
    pos_flat = jnp.concatenate([pos1[0], pos2[0]]).astype(jnp.int32)
    eid_i = eid[0, :NBLK].astype(jnp.int32)
    used_i = used[0, :NBLK].astype(jnp.int32)
    w1c = w1.reshape(S, 1)
    w2c = w2.reshape(S, 1)

    xg = _sc_scatter(x2, pos_flat)
    sh = _shared(x2, G, U, D)
    yg = _gmm(eid_i, used_i, xg, routed_gate, routed_up, routed_down)
    yq = _sc_gather(yg, pos_flat)
    out = _combine(sh, yq, w1c, w2c)
    return out.reshape(1, S, H), usage[:, 0]

# --- scband reference (transcript-rebuilt; emitter-appended) ---
"""Pipeline reference for scband-deep-seek-mo-e-11785390260703 (READ-ONLY COPY).

The authoritative reference and input builder live on the scoring server;
editing this copy changes nothing except your own understanding.
"""

import jax, jax.numpy as jnp
import numpy as np

B, S, H = 1, 2048, 1024
I = 384
NS = 2
E = 8
K = 2


def _expert(x, gw, uw, dw):
    return (jax.nn.silu(x @ gw.T) * (x @ uw.T)) @ dw.T


def setup_inputs(seed: int = 0):
    key = jax.random.key(seed)
    ks = jax.random.split(key, 9)
    x = jax.random.normal(ks[0], (B, S, H), dtype=jnp.float32)
    shared_gate = jax.random.normal(ks[1], (NS, I, H), dtype=jnp.float32) * 0.02
    shared_up = jax.random.normal(ks[2], (NS, I, H), dtype=jnp.float32) * 0.02
    shared_down = jax.random.normal(ks[3], (NS, H, I), dtype=jnp.float32) * 0.02
    routed_gate = jax.random.normal(ks[4], (E, I, H), dtype=jnp.float32) * 0.02
    routed_up = jax.random.normal(ks[5], (E, I, H), dtype=jnp.float32) * 0.02
    routed_down = jax.random.normal(ks[6], (E, H, I), dtype=jnp.float32) * 0.02
    router_w = jax.random.normal(ks[7], (E, H), dtype=jnp.float32) * 0.02
    router_bias = jnp.zeros((E,), dtype=jnp.float32)
    return {"x": x, "shared_gate": shared_gate, "shared_up": shared_up, "shared_down": shared_down,
            "routed_gate": routed_gate, "routed_up": routed_up, "routed_down": routed_down,
            "router_w": router_w, "router_bias": router_bias}


def reference(x, shared_gate, shared_up, shared_down, routed_gate, routed_up, routed_down, router_w, router_bias):
    bsz, seq_len, hidden = x.shape
    x_flat = x.reshape(-1, hidden)
    shared_out = jnp.zeros_like(x)
    for i in range(shared_gate.shape[0]):
        shared_out = shared_out + _expert(x, shared_gate[i], shared_up[i], shared_down[i])
    router_logits = x @ router_w.T
    rl_flat = router_logits.reshape(-1, router_w.shape[0])
    biased = rl_flat + router_bias
    sig = jax.nn.sigmoid(biased)
    topk_w, topk_i = jax.lax.top_k(sig, K)
    topk_w = topk_w / jnp.sum(topk_w, axis=-1, keepdims=True)
    final = jnp.zeros_like(x_flat)
    usage = []
    for e in range(routed_gate.shape[0]):
        usage.append(jnp.sum(jnp.any(topk_i == e, axis=-1).astype(jnp.float32)))
        out_e = _expert(x_flat, routed_gate[e], routed_up[e], routed_down[e])
        scale = jnp.sum(topk_w * (topk_i == e).astype(jnp.float32), axis=-1, keepdims=True)
        final = final + out_e * scale
    expert_usage = jnp.stack(usage)
    return shared_out + final.reshape(bsz, seq_len, -1), expert_usage

if __name__ == "__main__":
    import jax
    _d = setup_inputs()
    print(jax.jit(kernel)(*tuple(_d.values())))

</pallas_src>

<mosaic_0001>
#map = affine_map<(d0, d1) -> (0, 0)>
#map1 = affine_map<(d0, d1) -> (0)>
module attributes {stable_mosaic.version = 14 : i64} {
  func.func @_sc_scatter_body(%arg0: i32, %arg1: i32, %arg2: memref<2048x1024xf32, #tpu.memory_space<hbm>>, %arg3: memref<4096xi32, #tpu.memory_space<hbm>>, %arg4: memref<8192x1024xf32, #tpu.memory_space<hbm>>, %arg5: memref<32x1024xf32, #tpu.memory_space<vmem>>, %arg6: memref<32x1024xf32, #tpu.memory_space<vmem>>, %arg7: memref<32x1024xf32, #tpu.memory_space<vmem>>, %arg8: memref<32xi32, #tpu.memory_space<vmem>>, %arg9: memref<32xi32, #tpu.memory_space<vmem>>, %arg10: memref<32xi32, #tpu.memory_space<vmem>>, %arg11: memref<!tpu.dma_semaphore, #tpu.memory_space<semaphore_mem>>, %arg12: memref<!tpu.dma_semaphore, #tpu.memory_space<semaphore_mem>>, %arg13: memref<!tpu.dma_semaphore, #tpu.memory_space<semaphore_mem>>, %arg14: memref<!tpu.dma_semaphore, #tpu.memory_space<semaphore_mem>>, %arg15: memref<!tpu.dma_semaphore, #tpu.memory_space<semaphore_mem>>, %arg16: memref<!tpu.dma_semaphore, #tpu.memory_space<semaphore_mem>>) attributes {dimension_semantics = [#tpu.dimension_semantics<core_parallel>, #tpu.dimension_semantics<subcore_parallel>], iteration_bounds = array<i64: 2, 16>, scalar_prefetch = 0 : i64, scratch_operands = 12 : i64, tpu.core_type = #tpu.core_type<sc_vector_subcore>, window_params = [{transform_indices = #map}, {transform_indices = #map1}, {transform_indices = #map}]} {
    %mul3A = arith.constant 2 : i32
    %mul3A_0 = arith.muli %arg1, %mul3A : i32
    %add3A = arith.addi %mul3A_0, %arg0 : i32
    %mul3A_1 = arith.constant 128 : i32
    %mul3A_2 = arith.muli %add3A, %mul3A_1 : i32
    %add3A_3 = arith.constant 0 : i32
    %add3A_4 = arith.addi %mul3A_2, %add3A_3 : i32
    %rem3A = arith.constant 2048 : i32
    %rem3A_5 = arith.remsi %add3A_4, %rem3A : i32
    %dma_start3A = tpu.memref_slice %arg3[%add3A_4] : memref<4096xi32, #tpu.memory_space<hbm>> -> memref<32xi32, #tpu.memory_space<hbm>>
    %dma_start3A_6 = tpu.memref_slice %arg3[%add3A_4] : memref<4096xi32, #tpu.memory_space<hbm>> -> memref<32xi32, #tpu.memory_space<hbm>>
    tpu.enqueue_dma source(%dma_start3A_6 : memref<32xi32, #tpu.memory_space<hbm>>) target(%arg8 : memref<32xi32, #tpu.memory_space<vmem>>) target_semaphore(%arg11 : memref<!tpu.dma_semaphore, #tpu.memory_space<semaphore_mem>>)
    %dma_start3A_7 = arith.constant 0 : i32
    %dma_start3A_8 = tpu.memref_slice %arg2[%rem3A_5, %dma_start3A_7] : memref<2048x1024xf32, #tpu.memory_space<hbm>> -> memref<32x1024xf32, #tpu.memory_space<hbm>>
    %dma_start3A_9 = arith.constant 0 : i32
    %dma_start3A_10 = tpu.memref_slice %arg2[%rem3A_5, %dma_start3A_9] : memref<2048x1024xf32, #tpu.memory_space<hbm>> -> memref<32x1024xf32, #tpu.memory_space<hbm>>
    tpu.enqueue_dma source(%dma_start3A_10 : memref<32x1024xf32, #tpu.memory_space<hbm>>) target(%arg5 : memref<32x1024xf32, #tpu.memory_space<vmem>>) target_semaphore(%arg11 : memref<!tpu.dma_semaphore, #tpu.memory_space<semaphore_mem>>)
    %add3A_11 = arith.constant 32 : i32
    %add3A_12 = arith.addi %mul3A_2, %add3A_11 : i32
    %rem3A_13 = arith.constant 2048 : i32
    %rem3A_14 = arith.remsi %add3A_12, %rem3A_13 : i32
    %dma_start3A_15 = tpu.memref_slice %arg3[%add3A_12] : memref<4096xi32, #tpu.memory_space<hbm>> -> memref<32xi32, #tpu.memory_space<hbm>>
    %dma_start3A_16 = tpu.memref_slice %arg3[%add3A_12] : memref<4096xi32, #tpu.memory_space<hbm>> -> memref<32xi32, #tpu.memory_space<hbm>>
    tpu.enqueue_dma source(%dma_start3A_16 : memref<32xi32, #tpu.memory_space<hbm>>) target(%arg9 : memref<32xi32, #tpu.memory_space<vmem>>) target_semaphore(%arg12 : memref<!tpu.dma_semaphore, #tpu.memory_space<semaphore_mem>>)
    %dma_start3A_17 = arith.constant 0 : i32
    %dma_start3A_18 = tpu.memref_slice %arg2[%rem3A_14, %dma_start3A_17] : memref<2048x1024xf32, #tpu.memory_space<hbm>> -> memref<32x1024xf32, #tpu.memory_space<hbm>>
    %dma_start3A_19 = arith.constant 0 : i32
    %dma_start3A_20 = tpu.memref_slice %arg2[%rem3A_14, %dma_start3A_19] : memref<2048x1024xf32, #tpu.memory_space<hbm>> -> memref<32x1024xf32, #tpu.memory_space<hbm>>
    tpu.enqueue_dma source(%dma_start3A_20 : memref<32x1024xf32, #tpu.memory_space<hbm>>) target(%arg6 : memref<32x1024xf32, #tpu.memory_space<vmem>>) target_semaphore(%arg12 : memref<!tpu.dma_semaphore, #tpu.memory_space<semaphore_mem>>)
    %add3A_21 = arith.constant 64 : i32
    %add3A_22 = arith.addi %mul3A_2, %add3A_21 : i32
    %rem3A_23 = arith.constant 2048 : i32
    %rem3A_24 = arith.remsi %add3A_22, %rem3A_23 : i32
    %dma_start3A_25 = tpu.memref_slice %arg3[%add3A_22] : memref<4096xi32, #tpu.memory_space<hbm>> -> memref<32xi32, #tpu.memory_space<hbm>>
    %dma_start3A_26 = tpu.memref_slice %arg3[%add3A_22] : memref<4096xi32, #tpu.memory_space<hbm>> -> memref<32xi32, #tpu.memory_space<hbm>>
    tpu.enqueue_dma source(%dma_start3A_26 : memref<32xi32, #tpu.memory_space<hbm>>) target(%arg10 : memref<32xi32, #tpu.memory_space<vmem>>) target_semaphore(%arg13 : memref<!tpu.dma_semaphore, #tpu.memory_space<semaphore_mem>>)
    %dma_start3A_27 = arith.constant 0 : i32
    %dma_start3A_28 = tpu.memref_slice %arg2[%rem3A_24, %dma_start3A_27] : memref<2048x1024xf32, #tpu.memory_space<hbm>> -> memref<32x1024xf32, #tpu.memory_space<hbm>>
    %dma_start3A_29 = arith.constant 0 : i32
    %dma_start3A_30 = tpu.memref_slice %arg2[%rem3A_24, %dma_start3A_29] : memref<2048x1024xf32, #tpu.memory_space<hbm>> -> memref<32x1024xf32, #tpu.memory_space<hbm>>
    tpu.enqueue_dma source(%dma_start3A_30 : memref<32x1024xf32, #tpu.memory_space<hbm>>) target(%arg7 : memref<32x1024xf32, #tpu.memory_space<vmem>>) target_semaphore(%arg13 : memref<!tpu.dma_semaphore, #tpu.memory_space<semaphore_mem>>)
    %dma_wait3A = tpu.memref_slice %arg3[%add3A_4] : memref<4096xi32, #tpu.memory_space<hbm>> -> memref<32xi32, #tpu.memory_space<hbm>>
    %dma_wait3A_31 = tpu.memref_slice %arg3[%add3A_4] : memref<4096xi32, #tpu.memory_space<hbm>> -> memref<32xi32, #tpu.memory_space<hbm>>
    tpu.wait_dma2 semaphore(%arg11 : memref<!tpu.dma_semaphore, #tpu.memory_space<semaphore_mem>>) src(%dma_wait3A_31 : memref<32xi32, #tpu.memory_space<hbm>>) dst(%arg8 : memref<32xi32, #tpu.memory_space<vmem>>)
    %dma_wait3A_32 = arith.constant 0 : i32
    %dma_wait3A_33 = tpu.memref_slice %arg2[%rem3A_5, %dma_wait3A_32] : memref<2048x1024xf32, #tpu.memory_space<hbm>> -> memref<32x1024xf32, #tpu.memory_space<hbm>>
    %dma_wait3A_34 = arith.constant 0 : i32
    %dma_wait3A_35 = tpu.memref_slice %arg2[%rem3A_5, %dma_wait3A_34] : memref<2048x1024xf32, #tpu.memory_space<hbm>> -> memref<32x1024xf32, #tpu.memory_space<hbm>>
    tpu.wait_dma2 semaphore(%arg11 : memref<!tpu.dma_semaphore, #tpu.memory_space<semaphore_mem>>) src(%dma_wait3A_35 : memref<32x1024xf32, #tpu.memory_space<hbm>>) dst(%arg5 : memref<32x1024xf32, #tpu.memory_space<vmem>>)
    %dma_start3A_36 = arith.constant 0 : i32
    %dma_start3A_37 = arith.constant 0 : i32
    %dma_start3A_38 = tpu.memref_slice %arg4[%dma_start3A_36, %dma_start3A_37] : memref<8192x1024xf32, #tpu.memory_space<hbm>> -> memref<8192x1024xf32, #tpu.memory_space<hbm>>
    tpu.enqueue_indirect_dma source(%arg5 : memref<32x1024xf32, #tpu.memory_space<vmem>>) target(%dma_start3A_38 : memref<8192x1024xf32, #tpu.memory_space<hbm>>) offsets(%arg8 : memref<32xi32, #tpu.memory_space<vmem>>) semaphore(%arg14 : memref<!tpu.dma_semaphore, #tpu.memory_space<semaphore_mem>>)
    %dma_wait3A_39 = arith.constant 0 : i32
    %dma_wait3A_40 = arith.constant 0 : i32
    %dma_wait3A_41 = tpu.memref_slice %arg4[%dma_wait3A_39, %dma_wait3A_40] : memref<8192x1024xf32, #tpu.memory_space<hbm>> -> memref<8192x1024xf32, #tpu.memory_space<hbm>>
    tpu.wait_indirect_dma semaphore(%arg14 : memref<!tpu.dma_semaphore, #tpu.memory_space<semaphore_mem>>) src(%arg5 : memref<32x1024xf32, #tpu.memory_space<vmem>>) dst(%dma_wait3A_41 : memref<8192x1024xf32, #tpu.memory_space<hbm>>)
    %add3A_42 = arith.constant 96 : i32
    %add3A_43 = arith.addi %mul3A_2, %add3A_42 : i32
    %rem3A_44 = arith.constant 2048 : i32
    %rem3A_45 = arith.remsi %add3A_43, %rem3A_44 : i32
    %dma_start3A_46 = tpu.memref_slice %arg3[%add3A_43] : memref<4096xi32, #tpu.memory_space<hbm>> -> memref<32xi32, #tpu.memory_space<hbm>>
    %dma_start3A_47 = tpu.memref_slice %arg3[%add3A_43] : memref<4096xi32, #tpu.memory_space<hbm>> -> memref<32xi32, #tpu.memory_space<hbm>>
    tpu.enqueue_dma source(%dma_start3A_47 : memref<32xi32, #tpu.memory_space<hbm>>) target(%arg8 : memref<32xi32, #tpu.memory_space<vmem>>) target_semaphore(%arg11 : memref<!tpu.dma_semaphore, #tpu.memory_space<semaphore_mem>>)
    %dma_start3A_48 = arith.constant 0 : i32
    %dma_start3A_49 = tpu.memref_slice %arg2[%rem3A_45, %dma_start3A_48] : memref<2048x1024xf32, #tpu.memory_space<hbm>> -> memref<32x1024xf32, #tpu.memory_space<hbm>>
    %dma_start3A_50 = arith.constant 0 : i32
    %dma_start3A_51 = tpu.memref_slice %arg2[%rem3A_45, %dma_start3A_50] : memref<2048x1024xf32, #tpu.memory_space<hbm>> -> memref<32x1024xf32, #tpu.memory_space<hbm>>
    tpu.enqueue_dma source(%dma_start3A_51 : memref<32x1024xf32, #tpu.memory_space<hbm>>) target(%arg5 : memref<32x1024xf32, #tpu.memory_space<vmem>>) target_semaphore(%arg11 : memref<!tpu.dma_semaphore, #tpu.memory_space<semaphore_mem>>)
    %dma_wait3A_52 = tpu.memref_slice %arg3[%add3A_12] : memref<4096xi32, #tpu.memory_space<hbm>> -> memref<32xi32, #tpu.memory_space<hbm>>
    %dma_wait3A_53 = tpu.memref_slice %arg3[%add3A_12] : memref<4096xi32, #tpu.memory_space<hbm>> -> memref<32xi32, #tpu.memory_space<hbm>>
    tpu.wait_dma2 semaphore(%arg12 : memref<!tpu.dma_semaphore, #tpu.memory_space<semaphore_mem>>) src(%dma_wait3A_53 : memref<32xi32, #tpu.memory_space<hbm>>) dst(%arg9 : memref<32xi32, #tpu.memory_space<vmem>>)
    %dma_wait3A_54 = arith.constant 0 : i32
    %dma_wait3A_55 = tpu.memref_slice %arg2[%rem3A_14, %dma_wait3A_54] : memref<2048x1024xf32, #tpu.memory_space<hbm>> -> memref<32x1024xf32, #tpu.memory_space<hbm>>
    %dma_wait3A_56 = arith.constant 0 : i32
    %dma_wait3A_57 = tpu.memref_slice %arg2[%rem3A_14, %dma_wait3A_56] : memref<2048x1024xf32, #tpu.memory_space<hbm>> -> memref<32x1024xf32, #tpu.memory_space<hbm>>
    tpu.wait_dma2 semaphore(%arg12 : memref<!tpu.dma_semaphore, #tpu.memory_space<semaphore_mem>>) src(%dma_wait3A_57 : memref<32x1024xf32, #tpu.memory_space<hbm>>) dst(%arg6 : memref<32x1024xf32, #tpu.memory_space<vmem>>)
    %dma_start3A_58 = arith.constant 0 : i32
    %dma_start3A_59 = arith.constant 0 : i32
    %dma_start3A_60 = tpu.memref_slice %arg4[%dma_start3A_58, %dma_start3A_59] : memref<8192x1024xf32, #tpu.memory_space<hbm>> -> memref<8192x1024xf32, #tpu.memory_space<hbm>>
    tpu.enqueue_indirect_dma source(%arg6 : memref<32x1024xf32, #tpu.memory_space<vmem>>) target(%dma_start3A_60 : memref<8192x1024xf32, #tpu.memory_space<hbm>>) offsets(%arg9 : memref<32xi32, #tpu.memory_space<vmem>>) semaphore(%arg15 : memref<!tpu.dma_semaphore, #tpu.memory_space<semaphore_mem>>)
    %dma_wait3A_61 = tpu.memref_slice %arg3[%add3A_22] : memref<4096xi32, #tpu.memory_space<hbm>> -> memref<32xi32, #tpu.memory_space<hbm>>
    %dma_wait3A_62 = tpu.memref_slice %arg3[%add3A_22] : memref<4096xi32, #tpu.memory_space<hbm>> -> memref<32xi32, #tpu.memory_space<hbm>>
    tpu.wait_dma2 semaphore(%arg13 : memref<!tpu.dma_semaphore, #tpu.memory_space<semaphore_mem>>) src(%dma_wait3A_62 : memref<32xi32, #tpu.memory_space<hbm>>) dst(%arg10 : memref<32xi32, #tpu.memory_space<vmem>>)
    %dma_wait3A_63 = arith.constant 0 : i32
    %dma_wait3A_64 = tpu.memref_slice %arg2[%rem3A_24, %dma_wait3A_63] : memref<2048x1024xf32, #tpu.memory_space<hbm>> -> memref<32x1024xf32, #tpu.memory_space<hbm>>
    %dma_wait3A_65 = arith.constant 0 : i32
    %dma_wait3A_66 = tpu.memref_slice %arg2[%rem3A_24, %dma_wait3A_65] : memref<2048x1024xf32, #tpu.memory_space<hbm>> -> memref<32x1024xf32, #tpu.memory_space<hbm>>
    tpu.wait_dma2 semaphore(%arg13 : memref<!tpu.dma_semaphore, #tpu.memory_space<semaphore_mem>>) src(%dma_wait3A_66 : memref<32x1024xf32, #tpu.memory_space<hbm>>) dst(%arg7 : memref<32x1024xf32, #tpu.memory_space<vmem>>)
    %dma_start3A_67 = arith.constant 0 : i32
    %dma_start3A_68 = arith.constant 0 : i32
    %dma_start3A_69 = tpu.memref_slice %arg4[%dma_start3A_67, %dma_start3A_68] : memref<8192x1024xf32, #tpu.memory_space<hbm>> -> memref<8192x1024xf32, #tpu.memory_space<hbm>>
    tpu.enqueue_indirect_dma source(%arg7 : memref<32x1024xf32, #tpu.memory_space<vmem>>) target(%dma_start3A_69 : memref<8192x1024xf32, #tpu.memory_space<hbm>>) offsets(%arg10 : memref<32xi32, #tpu.memory_space<vmem>>) semaphore(%arg16 : memref<!tpu.dma_semaphore, #tpu.memory_space<semaphore_mem>>)
    %dma_wait3A_70 = tpu.memref_slice %arg3[%add3A_43] : memref<4096xi32, #tpu.memory_space<hbm>> -> memref<32xi32, #tpu.memory_space<hbm>>
    %dma_wait3A_71 = tpu.memref_slice %arg3[%add3A_43] : memref<4096xi32, #tpu.memory_space<hbm>> -> memref<32xi32, #tpu.memory_space<hbm>>
    tpu.wait_dma2 semaphore(%arg11 : memref<!tpu.dma_semaphore, #tpu.memory_space<semaphore_mem>>) src(%dma_wait3A_71 : memref<32xi32, #tpu.memory_space<hbm>>) dst(%arg8 : memref<32xi32, #tpu.memory_space<vmem>>)
    %dma_wait3A_72 = arith.constant 0 : i32
    %dma_wait3A_73 = tpu.memref_slice %arg2[%rem3A_45, %dma_wait3A_72] : memref<2048x1024xf32, #tpu.memory_space<hbm>> -> memref<32x1024xf32, #tpu.memory_space<hbm>>
    %dma_wait3A_74 = arith.constant 0 : i32
    %dma_wait3A_75 = tpu.memref_slice %arg2[%rem3A_45, %dma_wait3A_74] : memref<2048x1024xf32, #tpu.memory_space<hbm>> -> memref<32x1024xf32, #tpu.memory_space<hbm>>
    tpu.wait_dma2 semaphore(%arg11 : memref<!tpu.dma_semaphore, #tpu.memory_space<semaphore_mem>>) src(%dma_wait3A_75 : memref<32x1024xf32, #tpu.memory_space<hbm>>) dst(%arg5 : memref<32x1024xf32, #tpu.memory_space<vmem>>)
    %dma_start3A_76 = arith.constant 0 : i32
    %dma_start3A_77 = arith.constant 0 : i32
    %dma_start3A_78 = tpu.memref_slice %arg4[%dma_start3A_76, %dma_start3A_77] : memref<8192x1024xf32, #tpu.memory_space<hbm>> -> memref<8192x1024xf32, #tpu.memory_space<hbm>>
    tpu.enqueue_indirect_dma source(%arg5 : memref<32x1024xf32, #tpu.memory_space<vmem>>) target(%dma_start3A_78 : memref<8192x1024xf32, #tpu.memory_space<hbm>>) offsets(%arg8 : memref<32xi32, #tpu.memory_space<vmem>>) semaphore(%arg14 : memref<!tpu.dma_semaphore, #tpu.memory_space<semaphore_mem>>)
    %dma_wait3A_79 = arith.constant 0 : i32
    %dma_wait3A_80 = arith.constant 0 : i32
    %dma_wait3A_81 = tpu.memref_slice %arg4[%dma_wait3A_79, %dma_wait3A_80] : memref<8192x1024xf32, #tpu.memory_space<hbm>> -> memref<8192x1024xf32, #tpu.memory_space<hbm>>
    tpu.wait_indirect_dma semaphore(%arg15 : memref<!tpu.dma_semaphore, #tpu.memory_space<semaphore_mem>>) src(%arg6 : memref<32x1024xf32, #tpu.memory_space<vmem>>) dst(%dma_wait3A_81 : memref<8192x1024xf32, #tpu.memory_space<hbm>>)
    %dma_wait3A_82 = arith.constant 0 : i32
    %dma_wait3A_83 = arith.constant 0 : i32
    %dma_wait3A_84 = tpu.memref_slice %arg4[%dma_wait3A_82, %dma_wait3A_83] : memref<8192x1024xf32, #tpu.memory_space<hbm>> -> memref<8192x1024xf32, #tpu.memory_space<hbm>>
    tpu.wait_indirect_dma semaphore(%arg16 : memref<!tpu.dma_semaphore, #tpu.memory_space<semaphore_mem>>) src(%arg7 : memref<32x1024xf32, #tpu.memory_space<vmem>>) dst(%dma_wait3A_84 : memref<8192x1024xf32, #tpu.memory_space<hbm>>)
    %dma_wait3A_85 = arith.constant 0 : i32
    %dma_wait3A_86 = arith.constant 0 : i32
    %dma_wait3A_87 = tpu.memref_slice %arg4[%dma_wait3A_85, %dma_wait3A_86] : memref<8192x1024xf32, #tpu.memory_space<hbm>> -> memref<8192x1024xf32, #tpu.memory_space<hbm>>
    tpu.wait_indirect_dma semaphore(%arg14 : memref<!tpu.dma_semaphore, #tpu.memory_space<semaphore_mem>>) src(%arg5 : memref<32x1024xf32, #tpu.memory_space<vmem>>) dst(%dma_wait3A_87 : memref<8192x1024xf32, #tpu.memory_space<hbm>>)
    return
  }
}

#map = affine_map<(d0, d1) -> (0, 0)>
#map1 = affine_map<(d0, d1) -> (0)>
module attributes {stable_mosaic.version = 14 : i64} {
  func.func @_sc_gather_body(%arg0: i32, %arg1: i32, %arg2: memref<8192x1024xf32, #tpu.memory_space<hbm>>, %arg3: memref<4096xi32, #tpu.memory_space<hbm>>, %arg4: memref<4096x1024xf32, #tpu.memory_space<hbm>>, %arg5: memref<32x1024xf32, #tpu.memory_space<vmem>>, %arg6: memref<32x1024xf32, #tpu.memory_space<vmem>>, %arg7: memref<32x1024xf32, #tpu.memory_space<vmem>>, %arg8: memref<32xi32, #tpu.memory_space<vmem>>, %arg9: memref<32xi32, #tpu.memory_space<vmem>>, %arg10: memref<32xi32, #tpu.memory_space<vmem>>, %arg11: memref<!tpu.dma_semaphore, #tpu.memory_space<semaphore_mem>>, %arg12: memref<!tpu.dma_semaphore, #tpu.memory_space<semaphore_mem>>, %arg13: memref<!tpu.dma_semaphore, #tpu.memory_space<semaphore_mem>>, %arg14: memref<!tpu.dma_semaphore, #tpu.memory_space<semaphore_mem>>, %arg15: memref<!tpu.dma_semaphore, #tpu.memory_space<semaphore_mem>>, %arg16: memref<!tpu.dma_semaphore, #tpu.memory_space<semaphore_mem>>) attributes {dimension_semantics = [#tpu.dimension_semantics<core_parallel>, #tpu.dimension_semantics<subcore_parallel>], iteration_bounds = array<i64: 2, 16>, scalar_prefetch = 0 : i64, scratch_operands = 12 : i64, tpu.core_type = #tpu.core_type<sc_vector_subcore>, window_params = [{transform_indices = #map}, {transform_indices = #map1}, {transform_indices = #map}]} {
    %mul3A = arith.constant 2 : i32
    %mul3A_0 = arith.muli %arg1, %mul3A : i32
    %add3A = arith.addi %mul3A_0, %arg0 : i32
    %mul3A_1 = arith.constant 128 : i32
    %mul3A_2 = arith.muli %add3A, %mul3A_1 : i32
    %add3A_3 = arith.constant 0 : i32
    %add3A_4 = arith.addi %mul3A_2, %add3A_3 : i32
    %dma_start3A = tpu.memref_slice %arg3[%add3A_4] : memref<4096xi32, #tpu.memory_space<hbm>> -> memref<32xi32, #tpu.memory_space<hbm>>
    %dma_start3A_5 = tpu.memref_slice %arg3[%add3A_4] : memref<4096xi32, #tpu.memory_space<hbm>> -> memref<32xi32, #tpu.memory_space<hbm>>
    tpu.enqueue_dma source(%dma_start3A_5 : memref<32xi32, #tpu.memory_space<hbm>>) target(%arg8 : memref<32xi32, #tpu.memory_space<vmem>>) target_semaphore(%arg11 : memref<!tpu.dma_semaphore, #tpu.memory_space<semaphore_mem>>)
    %add3A_6 = arith.constant 32 : i32
    %add3A_7 = arith.addi %mul3A_2, %add3A_6 : i32
    %dma_start3A_8 = tpu.memref_slice %arg3[%add3A_7] : memref<4096xi32, #tpu.memory_space<hbm>> -> memref<32xi32, #tpu.memory_space<hbm>>
    %dma_start3A_9 = tpu.memref_slice %arg3[%add3A_7] : memref<4096xi32, #tpu.memory_space<hbm>> -> memref<32xi32, #tpu.memory_space<hbm>>
    tpu.enqueue_dma source(%dma_start3A_9 : memref<32xi32, #tpu.memory_space<hbm>>) target(%arg9 : memref<32xi32, #tpu.memory_space<vmem>>) target_semaphore(%arg12 : memref<!tpu.dma_semaphore, #tpu.memory_space<semaphore_mem>>)
    %add3A_10 = arith.constant 64 : i32
    %add3A_11 = arith.addi %mul3A_2, %add3A_10 : i32
    %dma_start3A_12 = tpu.memref_slice %arg3[%add3A_11] : memref<4096xi32, #tpu.memory_space<hbm>> -> memref<32xi32, #tpu.memory_space<hbm>>
    %dma_start3A_13 = tpu.memref_slice %arg3[%add3A_11] : memref<4096xi32, #tpu.memory_space<hbm>> -> memref<32xi32, #tpu.memory_space<hbm>>
    tpu.enqueue_dma source(%dma_start3A_13 : memref<32xi32, #tpu.memory_space<hbm>>) target(%arg10 : memref<32xi32, #tpu.memory_space<vmem>>) target_semaphore(%arg13 : memref<!tpu.dma_semaphore, #tpu.memory_space<semaphore_mem>>)
    %dma_wait3A = tpu.memref_slice %arg3[%add3A_4] : memref<4096xi32, #tpu.memory_space<hbm>> -> memref<32xi32, #tpu.memory_space<hbm>>
    %dma_wait3A_14 = tpu.memref_slice %arg3[%add3A_4] : memref<4096xi32, #tpu.memory_space<hbm>> -> memref<32xi32, #tpu.memory_space<hbm>>
    tpu.wait_dma2 semaphore(%arg11 : memref<!tpu.dma_semaphore, #tpu.memory_space<semaphore_mem>>) src(%dma_wait3A_14 : memref<32xi32, #tpu.memory_space<hbm>>) dst(%arg8 : memref<32xi32, #tpu.memory_space<vmem>>)
    %dma_start3A_15 = arith.constant 0 : i32
    %dma_start3A_16 = arith.constant 0 : i32
    %dma_start3A_17 = tpu.memref_slice %arg2[%dma_start3A_15, %dma_start3A_16] : memref<8192x1024xf32, #tpu.memory_space<hbm>> -> memref<8192x1024xf32, #tpu.memory_space<hbm>>
    tpu.enqueue_indirect_dma source(%dma_start3A_17 : memref<8192x1024xf32, #tpu.memory_space<hbm>>) target(%arg5 : memref<32x1024xf32, #tpu.memory_space<vmem>>) offsets(%arg8 : memref<32xi32, #tpu.memory_space<vmem>>) semaphore(%arg11 : memref<!tpu.dma_semaphore, #tpu.memory_space<semaphore_mem>>)
    %dma_wait3A_18 = arith.constant 0 : i32
    %dma_wait3A_19 = arith.constant 0 : i32
    %dma_wait3A_20 = tpu.memref_slice %arg2[%dma_wait3A_18, %dma_wait3A_19] : memref<8192x1024xf32, #tpu.memory_space<hbm>> -> memref<8192x1024xf32, #tpu.memory_space<hbm>>
    tpu.wait_indirect_dma semaphore(%arg11 : memref<!tpu.dma_semaphore, #tpu.memory_space<semaphore_mem>>) src(%dma_wait3A_20 : memref<8192x1024xf32, #tpu.memory_space<hbm>>) dst(%arg5 : memref<32x1024xf32, #tpu.memory_space<vmem>>)
    %add3A_21 = arith.constant 0 : i32
    %add3A_22 = arith.addi %mul3A_2, %add3A_21 : i32
    %dma_start3A_23 = arith.constant 0 : i32
    %dma_start3A_24 = tpu.memref_slice %arg4[%add3A_22, %dma_start3A_23] : memref<4096x1024xf32, #tpu.memory_space<hbm>> -> memref<32x1024xf32, #tpu.memory_space<hbm>>
    %dma_start3A_25 = arith.constant 0 : i32
    %dma_start3A_26 = tpu.memref_slice %arg4[%add3A_22, %dma_start3A_25] : memref<4096x1024xf32, #tpu.memory_space<hbm>> -> memref<32x1024xf32, #tpu.memory_space<hbm>>
    tpu.enqueue_dma source(%arg5 : memref<32x1024xf32, #tpu.memory_space<vmem>>) target(%dma_start3A_26 : memref<32x1024xf32, #tpu.memory_space<hbm>>) target_semaphore(%arg14 : memref<!tpu.dma_semaphore, #tpu.memory_space<semaphore_mem>>)
    %dma_wait3A_27 = arith.constant 0 : i32
    %dma_wait3A_28 = tpu.memref_slice %arg4[%add3A_22, %dma_wait3A_27] : memref<4096x1024xf32, #tpu.memory_space<hbm>> -> memref<32x1024xf32, #tpu.memory_space<hbm>>
    %dma_wait3A_29 = arith.constant 0 : i32
    %dma_wait3A_30 = tpu.memref_slice %arg4[%add3A_22, %dma_wait3A_29] : memref<4096x1024xf32, #tpu.memory_space<hbm>> -> memref<32x1024xf32, #tpu.memory_space<hbm>>
    tpu.wait_dma2 semaphore(%arg14 : memref<!tpu.dma_semaphore, #tpu.memory_space<semaphore_mem>>) src(%arg5 : memref<32x1024xf32, #tpu.memory_space<vmem>>) dst(%dma_wait3A_30 : memref<32x1024xf32, #tpu.memory_space<hbm>>)
    %add3A_31 = arith.constant 96 : i32
    %add3A_32 = arith.addi %mul3A_2, %add3A_31 : i32
    %dma_start3A_33 = tpu.memref_slice %arg3[%add3A_32] : memref<4096xi32, #tpu.memory_space<hbm>> -> memref<32xi32, #tpu.memory_space<hbm>>
    %dma_start3A_34 = tpu.memref_slice %arg3[%add3A_32] : memref<4096xi32, #tpu.memory_space<hbm>> -> memref<32xi32, #tpu.memory_space<hbm>>
    tpu.enqueue_dma source(%dma_start3A_34 : memref<32xi32, #tpu.memory_space<hbm>>) target(%arg8 : memref<32xi32, #tpu.memory_space<vmem>>) target_semaphore(%arg11 : memref<!tpu.dma_semaphore, #tpu.memory_space<semaphore_mem>>)
    %dma_wait3A_35 = tpu.memref_slice %arg3[%add3A_7] : memref<4096xi32, #tpu.memory_space<hbm>> -> memref<32xi32, #tpu.memory_space<hbm>>
    %dma_wait3A_36 = tpu.memref_slice %arg3[%add3A_7] : memref<4096xi32, #tpu.memory_space<hbm>> -> memref<32xi32, #tpu.memory_space<hbm>>
    tpu.wait_dma2 semaphore(%arg12 : memref<!tpu.dma_semaphore, #tpu.memory_space<semaphore_mem>>) src(%dma_wait3A_36 : memref<32xi32, #tpu.memory_space<hbm>>) dst(%arg9 : memref<32xi32, #tpu.memory_space<vmem>>)
    %dma_start3A_37 = arith.constant 0 : i32
    %dma_start3A_38 = arith.constant 0 : i32
    %dma_start3A_39 = tpu.memref_slice %arg2[%dma_start3A_37, %dma_start3A_38] : memref<8192x1024xf32, #tpu.memory_space<hbm>> -> memref<8192x1024xf32, #tpu.memory_space<hbm>>
    tpu.enqueue_indirect_dma source(%dma_start3A_39 : memref<8192x1024xf32, #tpu.memory_space<hbm>>) target(%arg6 : memref<32x1024xf32, #tpu.memory_space<vmem>>) offsets(%arg9 : memref<32xi32, #tpu.memory_space<vmem>>) semaphore(%arg12 : memref<!tpu.dma_semaphore, #tpu.memory_space<semaphore_mem>>)
    %dma_wait3A_40 = arith.constant 0 : i32
    %dma_wait3A_41 = arith.constant 0 : i32
    %dma_wait3A_42 = tpu.memref_slice %arg2[%dma_wait3A_40, %dma_wait3A_41] : memref<8192x1024xf32, #tpu.memory_space<hbm>> -> memref<8192x1024xf32, #tpu.memory_space<hbm>>
    tpu.wait_indirect_dma semaphore(%arg12 : memref<!tpu.dma_semaphore, #tpu.memory_space<semaphore_mem>>) src(%dma_wait3A_42 : memref<8192x1024xf32, #tpu.memory_space<hbm>>) dst(%arg6 : memref<32x1024xf32, #tpu.memory_space<vmem>>)
    %add3A_43 = arith.constant 32 : i32
    %add3A_44 = arith.addi %mul3A_2, %add3A_43 : i32
    %dma_start3A_45 = arith.constant 0 : i32
    %dma_start3A_46 = tpu.memref_slice %arg4[%add3A_44, %dma_start3A_45] : memref<4096x1024xf32, #tpu.memory_space<hbm>> -> memref<32x1024xf32, #tpu.memory_space<hbm>>
    %dma_start3A_47 = arith.constant 0 : i32
    %dma_start3A_48 = tpu.memref_slice %arg4[%add3A_44, %dma_start3A_47] : memref<4096x1024xf32, #tpu.memory_space<hbm>> -> memref<32x1024xf32, #tpu.memory_space<hbm>>
    tpu.enqueue_dma source(%arg6 : memref<32x1024xf32, #tpu.memory_space<vmem>>) target(%dma_start3A_48 : memref<32x1024xf32, #tpu.memory_space<hbm>>) target_semaphore(%arg15 : memref<!tpu.dma_semaphore, #tpu.memory_space<semaphore_mem>>)
    %dma_wait3A_49 = tpu.memref_slice %arg3[%add3A_11] : memref<4096xi32, #tpu.memory_space<hbm>> -> memref<32xi32, #tpu.memory_space<hbm>>
    %dma_wait3A_50 = tpu.memref_slice %arg3[%add3A_11] : memref<4096xi32, #tpu.memory_space<hbm>> -> memref<32xi32, #tpu.memory_space<hbm>>
    tpu.wait_dma2 semaphore(%arg13 : memref<!tpu.dma_semaphore, #tpu.memory_space<semaphore_mem>>) src(%dma_wait3A_50 : memref<32xi32, #tpu.memory_space<hbm>>) dst(%arg10 : memref<32xi32, #tpu.memory_space<vmem>>)
    %dma_start3A_51 = arith.constant 0 : i32
    %dma_start3A_52 = arith.constant 0 : i32
    %dma_start3A_53 = tpu.memref_slice %arg2[%dma_start3A_51, %dma_start3A_52] : memref<8192x1024xf32, #tpu.memory_space<hbm>> -> memref<8192x1024xf32, #tpu.memory_space<hbm>>
    tpu.enqueue_indirect_dma source(%dma_start3A_53 : memref<8192x1024xf32, #tpu.memory_space<hbm>>) target(%arg7 : memref<32x1024xf32, #tpu.memory_space<vmem>>) offsets(%arg10 : memref<32xi32, #tpu.memory_space<vmem>>) semaphore(%arg13 : memref<!tpu.dma_semaphore, #tpu.memory_space<semaphore_mem>>)
    %dma_wait3A_54 = arith.constant 0 : i32
    %dma_wait3A_55 = arith.constant 0 : i32
    %dma_wait3A_56 = tpu.memref_slice %arg2[%dma_wait3A_54, %dma_wait3A_55] : memref<8192x1024xf32, #tpu.memory_space<hbm>> -> memref<8192x1024xf32, #tpu.memory_space<hbm>>
    tpu.wait_indirect_dma semaphore(%arg13 : memref<!tpu.dma_semaphore, #tpu.memory_space<semaphore_mem>>) src(%dma_wait3A_56 : memref<8192x1024xf32, #tpu.memory_space<hbm>>) dst(%arg7 : memref<32x1024xf32, #tpu.memory_space<vmem>>)
    %add3A_57 = arith.constant 64 : i32
    %add3A_58 = arith.addi %mul3A_2, %add3A_57 : i32
    %dma_start3A_59 = arith.constant 0 : i32
    %dma_start3A_60 = tpu.memref_slice %arg4[%add3A_58, %dma_start3A_59] : memref<4096x1024xf32, #tpu.memory_space<hbm>> -> memref<32x1024xf32, #tpu.memory_space<hbm>>
    %dma_start3A_61 = arith.constant 0 : i32
    %dma_start3A_62 = tpu.memref_slice %arg4[%add3A_58, %dma_start3A_61] : memref<4096x1024xf32, #tpu.memory_space<hbm>> -> memref<32x1024xf32, #tpu.memory_space<hbm>>
    tpu.enqueue_dma source(%arg7 : memref<32x1024xf32, #tpu.memory_space<vmem>>) target(%dma_start3A_62 : memref<32x1024xf32, #tpu.memory_space<hbm>>) target_semaphore(%arg16 : memref<!tpu.dma_semaphore, #tpu.memory_space<semaphore_mem>>)
    %dma_wait3A_63 = tpu.memref_slice %arg3[%add3A_32] : memref<4096xi32, #tpu.memory_space<hbm>> -> memref<32xi32, #tpu.memory_space<hbm>>
    %dma_wait3A_64 = tpu.memref_slice %arg3[%add3A_32] : memref<4096xi32, #tpu.memory_space<hbm>> -> memref<32xi32, #tpu.memory_space<hbm>>
    tpu.wait_dma2 semaphore(%arg11 : memref<!tpu.dma_semaphore, #tpu.memory_space<semaphore_mem>>) src(%dma_wait3A_64 : memref<32xi32, #tpu.memory_space<hbm>>) dst(%arg8 : memref<32xi32, #tpu.memory_space<vmem>>)
    %dma_start3A_65 = arith.constant 0 : i32
    %dma_start3A_66 = arith.constant 0 : i32
    %dma_start3A_67 = tpu.memref_slice %arg2[%dma_start3A_65, %dma_start3A_66] : memref<8192x1024xf32, #tpu.memory_space<hbm>> -> memref<8192x1024xf32, #tpu.memory_space<hbm>>
    tpu.enqueue_indirect_dma source(%dma_start3A_67 : memref<8192x1024xf32, #tpu.memory_space<hbm>>) target(%arg5 : memref<32x1024xf32, #tpu.memory_space<vmem>>) offsets(%arg8 : memref<32xi32, #tpu.memory_space<vmem>>) semaphore(%arg11 : memref<!tpu.dma_semaphore, #tpu.memory_space<semaphore_mem>>)
    %dma_wait3A_68 = arith.constant 0 : i32
    %dma_wait3A_69 = arith.constant 0 : i32
    %dma_wait3A_70 = tpu.memref_slice %arg2[%dma_wait3A_68, %dma_wait3A_69] : memref<8192x1024xf32, #tpu.memory_space<hbm>> -> memref<8192x1024xf32, #tpu.memory_space<hbm>>
    tpu.wait_indirect_dma semaphore(%arg11 : memref<!tpu.dma_semaphore, #tpu.memory_space<semaphore_mem>>) src(%dma_wait3A_70 : memref<8192x1024xf32, #tpu.memory_space<hbm>>) dst(%arg5 : memref<32x1024xf32, #tpu.memory_space<vmem>>)
    %add3A_71 = arith.constant 96 : i32
    %add3A_72 = arith.addi %mul3A_2, %add3A_71 : i32
    %dma_start3A_73 = arith.constant 0 : i32
    %dma_start3A_74 = tpu.memref_slice %arg4[%add3A_72, %dma_start3A_73] : memref<4096x1024xf32, #tpu.memory_space<hbm>> -> memref<32x1024xf32, #tpu.memory_space<hbm>>
    %dma_start3A_75 = arith.constant 0 : i32
    %dma_start3A_76 = tpu.memref_slice %arg4[%add3A_72, %dma_start3A_75] : memref<4096x1024xf32, #tpu.memory_space<hbm>> -> memref<32x1024xf32, #tpu.memory_space<hbm>>
    tpu.enqueue_dma source(%arg5 : memref<32x1024xf32, #tpu.memory_space<vmem>>) target(%dma_start3A_76 : memref<32x1024xf32, #tpu.memory_space<hbm>>) target_semaphore(%arg14 : memref<!tpu.dma_semaphore, #tpu.memory_space<semaphore_mem>>)
    %dma_wait3A_77 = arith.constant 0 : i32
    %dma_wait3A_78 = tpu.memref_slice %arg4[%add3A_44, %dma_wait3A_77] : memref<4096x1024xf32, #tpu.memory_space<hbm>> -> memref<32x1024xf32, #tpu.memory_space<hbm>>
    %dma_wait3A_79 = arith.constant 0 : i32
    %dma_wait3A_80 = tpu.memref_slice %arg4[%add3A_44, %dma_wait3A_79] : memref<4096x1024xf32, #tpu.memory_space<hbm>> -> memref<32x1024xf32, #tpu.memory_space<hbm>>
    tpu.wait_dma2 semaphore(%arg15 : memref<!tpu.dma_semaphore, #tpu.memory_space<semaphore_mem>>) src(%arg6 : memref<32x1024xf32, #tpu.memory_space<vmem>>) dst(%dma_wait3A_80 : memref<32x1024xf32, #tpu.memory_space<hbm>>)
    %dma_wait3A_81 = arith.constant 0 : i32
    %dma_wait3A_82 = tpu.memref_slice %arg4[%add3A_58, %dma_wait3A_81] : memref<4096x1024xf32, #tpu.memory_space<hbm>> -> memref<32x1024xf32, #tpu.memory_space<hbm>>
    %dma_wait3A_83 = arith.constant 0 : i32
    %dma_wait3A_84 = tpu.memref_slice %arg4[%add3A_58, %dma_wait3A_83] : memref<4096x1024xf32, #tpu.memory_space<hbm>> -> memref<32x1024xf32, #tpu.memory_space<hbm>>
    tpu.wait_dma2 semaphore(%arg16 : memref<!tpu.dma_semaphore, #tpu.memory_space<semaphore_mem>>) src(%arg7 : memref<32x1024xf32, #tpu.memory_space<vmem>>) dst(%dma_wait3A_84 : memref<32x1024xf32, #tpu.memory_space<hbm>>)
    %dma_wait3A_85 = arith.constant 0 : i32
    %dma_wait3A_86 = tpu.memref_slice %arg4[%add3A_72, %dma_wait3A_85] : memref<4096x1024xf32, #tpu.memory_space<hbm>> -> memref<32x1024xf32, #tpu.memory_space<hbm>>
    %dma_wait3A_87 = arith.constant 0 : i32
    %dma_wait3A_88 = tpu.memref_slice %arg4[%add3A_72, %dma_wait3A_87] : memref<4096x1024xf32, #tpu.memory_space<hbm>> -> memref<32x1024xf32, #tpu.memory_space<hbm>>
    tpu.wait_dma2 semaphore(%arg14 : memref<!tpu.dma_semaphore, #tpu.memory_space<semaphore_mem>>) src(%arg5 : memref<32x1024xf32, #tpu.memory_space<vmem>>) dst(%dma_wait3A_88 : memref<32x1024xf32, #tpu.memory_space<hbm>>)
    return
  }
}

module attributes {stable_mosaic.version = 14 : i64} {
  func.func @_dispatch_body(%arg0: memref<2048x1024xf32, #tpu.memory_space<vmem>>, %arg1: memref<8x1024xf32, #tpu.memory_space<vmem>>, %arg2: memref<8x1xf32, #tpu.memory_space<vmem>>, %arg3: memref<1x2048xf32, #tpu.memory_space<vmem>>, %arg4: memref<1x2048xf32, #tpu.memory_space<vmem>>, %arg5: memref<1x2048xf32, #tpu.memory_space<vmem>>, %arg6: memref<1x2048xf32, #tpu.memory_space<vmem>>, %arg7: memref<8x1xf32, #tpu.memory_space<vmem>>, %arg8: memref<1x64xf32, #tpu.memory_space<vmem>>, %arg9: memref<1x64xf32, #tpu.memory_space<vmem>>) attributes {dimension_semantics = [], scalar_prefetch = 0 : i64, scratch_operands = 0 : i64, tpu.core_type = #tpu.core_type<tc>} {
    %get3A = arith.constant 0 : index
    %get3A_0 = arith.constant 0 : index
    %get3A_1 = vector.load %arg0[%get3A, %get3A_0] : memref<2048x1024xf32, #tpu.memory_space<vmem>>, vector<2048x1024xf32>
    %get3A_2 = arith.constant 0 : index
    %get3A_3 = arith.constant 0 : index
    %get3A_4 = vector.load %arg1[%get3A_2, %get3A_3] : memref<8x1024xf32, #tpu.memory_space<vmem>>, vector<8x1024xf32>
    %dot_general3A = arith.constant dense<0.000000e+00> : vector<8x2048xf32>
    %dot_general3A_5 = tpu.matmul %get3A_4, %get3A_1, %dot_general3A {dimension_numbers = #tpu.dot_dimension_numbers<[1], [1], [0], [0], [0, 0, 1, 0], [], []>, transpose_lhs_hint = false} : vector<8x1024xf32>, vector<2048x1024xf32>, vector<8x2048xf32> -> vector<8x2048xf32>
    %get3A_6 = arith.constant 0 : index
    %get3A_7 = arith.constant 0 : index
    %get3A_8 = vector.load %arg2[%get3A_6, %get3A_7] : memref<8x1xf32, #tpu.memory_space<vmem>>, vector<8x1xf32>
    %add3A = vector.broadcast %get3A_8 : vector<8x1xf32> to vector<8x2048xf32>
    %add3A_9 = arith.addf %dot_general3A_5, %add3A : vector<8x2048xf32>
    %logistic3A = arith.negf %add3A_9 : vector<8x2048xf32>
    %logistic3A_10 = math.exp %logistic3A : vector<8x2048xf32>
    %logistic3A_11 = arith.constant 1.000000e+00 : f32
    %logistic3A_12 = vector.broadcast %logistic3A_11 : f32 to vector<8x2048xf32>
    %logistic3A_13 = arith.addf %logistic3A_12, %logistic3A_10 : vector<8x2048xf32>
    %logistic3A_14 = arith.divf %logistic3A_12, %logistic3A_13 : vector<8x2048xf32>
    %iota3A = tpu.iota {dimensions = array<i32: 0>} : vector<8x2048xi32>
    %convert_element_type3A = arith.sitofp %iota3A : vector<8x2048xi32> to vector<8x2048xf32>
    %reduce_max3A = arith.constant dense<0xFF800000> : vector<2048xf32>
    %reduce_max3A_15 = vector.multi_reduction <maximumf>, %logistic3A_14, %reduce_max3A [0] : vector<8x2048xf32> to vector<2048xf32>
    %broadcast_in_dim3A = vector.shape_cast %reduce_max3A_15 : vector<2048xf32> to vector<1x2048xf32>
    %eq3A = vector.broadcast %broadcast_in_dim3A : vector<1x2048xf32> to vector<8x2048xf32>
    %eq3A_16 = arith.cmpf oeq, %logistic3A_14, %eq3A : vector<8x2048xf32>
    %jit3A = arith.constant 1.000000e+09 : f32
    %broadcast_in_dim3A_17 = vector.broadcast %jit3A : f32 to vector<8x2048xf32>
    %select_n3A = arith.select %eq3A_16, %convert_element_type3A, %broadcast_in_dim3A_17 : vector<8x2048xi1>, vector<8x2048xf32>
    %reduce_min3A = arith.constant dense<0x7F800000> : vector<2048xf32>
    %reduce_min3A_18 = vector.multi_reduction <minimumf>, %select_n3A, %reduce_min3A [0] : vector<8x2048xf32> to vector<2048xf32>
    %broadcast_in_dim3A_19 = vector.shape_cast %reduce_min3A_18 : vector<2048xf32> to vector<1x2048xf32>
    %eq3A_20 = vector.broadcast %broadcast_in_dim3A_19 : vector<1x2048xf32> to vector<8x2048xf32>
    %eq3A_21 = arith.cmpf oeq, %convert_element_type3A, %eq3A_20 : vector<8x2048xf32>
    %jit3A_22 = arith.constant -1.000000e+00 : f32
    %broadcast_in_dim3A_23 = vector.broadcast %jit3A_22 : f32 to vector<8x2048xf32>
    %select_n3A_24 = arith.select %eq3A_21, %broadcast_in_dim3A_23, %logistic3A_14 : vector<8x2048xi1>, vector<8x2048xf32>
    %reduce_max3A_25 = arith.constant dense<0xFF800000> : vector<2048xf32>
    %reduce_max3A_26 = vector.multi_reduction <maximumf>, %select_n3A_24, %reduce_max3A_25 [0] : vector<8x2048xf32> to vector<2048xf32>
    %broadcast_in_dim3A_27 = vector.shape_cast %reduce_max3A_26 : vector<2048xf32> to vector<1x2048xf32>
    %eq3A_28 = vector.broadcast %broadcast_in_dim3A_27 : vector<1x2048xf32> to vector<8x2048xf32>
    %eq3A_29 = arith.cmpf oeq, %select_n3A_24, %eq3A_28 : vector<8x2048xf32>
    %jit3A_30 = arith.constant 1.000000e+09 : f32
    %broadcast_in_dim3A_31 = vector.broadcast %jit3A_30 : f32 to vector<8x2048xf32>
    %select_n3A_32 = arith.select %eq3A_29, %convert_element_type3A, %broadcast_in_dim3A_31 : vector<8x2048xi1>, vector<8x2048xf32>
    %reduce_min3A_33 = arith.constant dense<0x7F800000> : vector<2048xf32>
    %reduce_min3A_34 = vector.multi_reduction <minimumf>, %select_n3A_32, %reduce_min3A_33 [0] : vector<8x2048xf32> to vector<2048xf32>
    %broadcast_in_dim3A_35 = vector.shape_cast %reduce_min3A_34 : vector<2048xf32> to vector<1x2048xf32>
    %eq3A_36 = vector.broadcast %broadcast_in_dim3A_35 : vector<1x2048xf32> to vector<8x2048xf32>
    %eq3A_37 = arith.cmpf oeq, %convert_element_type3A, %eq3A_36 : vector<8x2048xf32>
    %add3A_38 = arith.addf %broadcast_in_dim3A, %broadcast_in_dim3A_27 : vector<1x2048xf32>
    %div3A = arith.divf %broadcast_in_dim3A, %add3A_38 : vector<1x2048xf32>
    %swap3A = arith.constant 0 : index
    %swap3A_39 = arith.constant 0 : index
    %swap3A_40 = vector.load %arg5[%swap3A, %swap3A_39] : memref<1x2048xf32, #tpu.memory_space<vmem>>, vector<1x2048xf32>
    tpu.vector_store %arg5[%swap3A, %swap3A_39], %div3A {strides = array<i32>} : memref<1x2048xf32, #tpu.memory_space<vmem>>, vector<1x2048xf32>,
    %div3A_41 = arith.divf %broadcast_in_dim3A_27, %add3A_38 : vector<1x2048xf32>
    %swap3A_42 = arith.constant 0 : index
    %swap3A_43 = arith.constant 0 : index
    %swap3A_44 = vector.load %arg6[%swap3A_42, %swap3A_43] : memref<1x2048xf32, #tpu.memory_space<vmem>>, vector<1x2048xf32>
    tpu.vector_store %arg6[%swap3A_42, %swap3A_43], %div3A_41 {strides = array<i32>} : memref<1x2048xf32, #tpu.memory_space<vmem>>, vector<1x2048xf32>,
    %convert_element_type3A_45 = arith.extui %eq3A_21 : vector<8x2048xi1> to vector<8x2048xi32>
    %convert_element_type3A_46 = arith.sitofp %convert_element_type3A_45 : vector<8x2048xi32> to vector<8x2048xf32>
    %convert_element_type3A_47 = arith.extui %eq3A_37 : vector<8x2048xi1> to vector<8x2048xi32>
    %convert_element_type3A_48 = arith.sitofp %convert_element_type3A_47 : vector<8x2048xi32> to vector<8x2048xf32>
    %add3A_49 = arith.addf %convert_element_type3A_46, %convert_element_type3A_48 : vector<8x2048xf32>
    %reduce_sum3A = arith.constant dense<0.000000e+00> : vector<8xf32>
    %reduce_sum3A_50 = vector.multi_reduction <add>, %add3A_49, %reduce_sum3A [1] : vector<8x2048xf32> to vector<8xf32>
    %broadcast_in_dim3A_51 = vector.shape_cast %reduce_sum3A_50 : vector<8xf32> to vector<8x1xf32>
    %swap3A_52 = arith.constant 0 : index
    %swap3A_53 = arith.constant 0 : index
    %swap3A_54 = vector.load %arg7[%swap3A_52, %swap3A_53] : memref<8x1xf32, #tpu.memory_space<vmem>>, vector<8x1xf32>
    tpu.vector_store %arg7[%swap3A_52, %swap3A_53], %broadcast_in_dim3A_51 {strides = array<i32>} : memref<8x1xf32, #tpu.memory_space<vmem>>, vector<8x1xf32>,
    %convert_element_type3A_55 = arith.fptosi %broadcast_in_dim3A_51 : vector<8x1xf32> to vector<8x1xi32>
    %add3A_56 = arith.constant 512 : i32
    %add3A_57 = vector.broadcast %add3A_56 : i32 to vector<8x1xi32>
    %add3A_58 = arith.addi %convert_element_type3A_55, %add3A_57 : vector<8x1xi32>
    %sub3A = arith.constant 1 : i32
    %sub3A_59 = vector.broadcast %sub3A : i32 to vector<8x1xi32>
    %sub3A_60 = arith.subi %add3A_58, %sub3A_59 : vector<8x1xi32>
    %jit3A_61 = arith.constant 512 : i32
    %div3A_62 = vector.broadcast %jit3A_61 : i32 to vector<8x1xi32>
    %div3A_63 = arith.divsi %sub3A_60, %div3A_62 : vector<8x1xi32>
    %sign3A = arith.constant 0 : i32
    %sign3A_64 = vector.broadcast %sign3A : i32 to vector<8x1xi32>
    %sign3A_65 = arith.cmpi sgt, %sub3A_60, %sign3A_64 : vector<8x1xi32>
    %sign3A_66 = arith.extui %sign3A_65 : vector<8x1xi1> to vector<8x1xi32>
    %sign3A_67 = arith.constant 0 : i32
    %sign3A_68 = vector.broadcast %sign3A_67 : i32 to vector<8x1xi32>
    %sign3A_69 = arith.cmpi slt, %sub3A_60, %sign3A_68 : vector<8x1xi32>
    %sign3A_70 = arith.extui %sign3A_69 : vector<8x1xi1> to vector<8x1xi32>
    %sign3A_71 = arith.subi %sign3A_66, %sign3A_70 : vector<8x1xi32>
    %sign3A_72 = arith.constant 0 : i32
    %sign3A_73 = arith.cmpi sgt, %jit3A_61, %sign3A_72 : i32
    %sign3A_74 = arith.extui %sign3A_73 : i1 to i32
    %sign3A_75 = arith.constant 0 : i32
    %sign3A_76 = arith.cmpi slt, %jit3A_61, %sign3A_75 : i32
    %sign3A_77 = arith.extui %sign3A_76 : i1 to i32
    %sign3A_78 = arith.subi %sign3A_74, %sign3A_77 : i32
    %ne3A = vector.broadcast %sign3A_78 : i32 to vector<8x1xi32>
    %ne3A_79 = arith.cmpi ne, %sign3A_71, %ne3A : vector<8x1xi32>
    %rem3A = vector.broadcast %jit3A_61 : i32 to vector<8x1xi32>
    %rem3A_80 = arith.remsi %sub3A_60, %rem3A : vector<8x1xi32>
    %ne3A_81 = arith.constant 0 : i32
    %ne3A_82 = vector.broadcast %ne3A_81 : i32 to vector<8x1xi32>
    %ne3A_83 = arith.cmpi ne, %rem3A_80, %ne3A_82 : vector<8x1xi32>
    %and3A = arith.andi %ne3A_79, %ne3A_83 : vector<8x1xi1>
    %sub3A_84 = arith.constant 1 : i32
    %sub3A_85 = vector.broadcast %sub3A_84 : i32 to vector<8x1xi32>
    %sub3A_86 = arith.subi %div3A_63, %sub3A_85 : vector<8x1xi32>
    %select_n3A_87 = arith.select %and3A, %sub3A_86, %div3A_63 : vector<8x1xi1>, vector<8x1xi32>
    %mul3A = arith.constant 512 : i32
    %mul3A_88 = vector.broadcast %mul3A : i32 to vector<8x1xi32>
    %mul3A_89 = arith.muli %select_n3A_87, %mul3A_88 : vector<8x1xi32>
    %convert_element_type3A_90 = arith.sitofp %mul3A_89 : vector<8x1xi32> to vector<8x1xf32>
    %iota3A_91 = tpu.iota {dimensions = array<i32: 0>} : vector<8x8xi32>
    %iota3A_92 = tpu.iota {dimensions = array<i32: 1>} : vector<8x8xi32>
    %lt3A = arith.cmpi slt, %iota3A_92, %iota3A_91 : vector<8x8xi32>
    %convert_element_type3A_93 = arith.extui %lt3A : vector<8x8xi1> to vector<8x8xi32>
    %convert_element_type3A_94 = arith.sitofp %convert_element_type3A_93 : vector<8x8xi32> to vector<8x8xf32>
    %dot_general3A_95 = arith.constant dense<0.000000e+00> : vector<8x1xf32>
    %dot_general3A_96 = tpu.matmul %convert_element_type3A_94, %convert_element_type3A_90, %dot_general3A_95 {dimension_numbers = #tpu.dot_dimension_numbers<[1], [0], [0], [1], [0, 0, 1, 1], [], []>, transpose_lhs_hint = false} : vector<8x8xf32>, vector<8x1xf32>, vector<8x1xf32> -> vector<8x1xf32>
    %iota3A_97 = tpu.iota {dimensions = array<i32: 1>} : vector<1x64xi32>
    %mul3A_98 = arith.constant 512 : i32
    %mul3A_99 = vector.broadcast %mul3A_98 : i32 to vector<1x64xi32>
    %mul3A_100 = arith.muli %iota3A_97, %mul3A_99 : vector<1x64xi32>
    %convert_element_type3A_101 = arith.sitofp %mul3A_100 : vector<1x64xi32> to vector<1x64xf32>
    %le3A = vector.broadcast %dot_general3A_96 : vector<8x1xf32> to vector<8x64xf32>
    %le3A_102 = vector.broadcast %convert_element_type3A_101 : vector<1x64xf32> to vector<8x64xf32>
    %le3A_103 = arith.cmpf ole, %le3A, %le3A_102 : vector<8x64xf32>
    %jit3A_104 = arith.constant 1.000000e+00 : f32
    %jit3A_105 = arith.constant 0.000000e+00 : f32
    %broadcast_in_dim3A_106 = vector.broadcast %jit3A_104 : f32 to vector<8x64xf32>
    %broadcast_in_dim3A_107 = vector.broadcast %jit3A_105 : f32 to vector<8x64xf32>
    %select_n3A_108 = arith.select %le3A_103, %broadcast_in_dim3A_106, %broadcast_in_dim3A_107 : vector<8x64xi1>, vector<8x64xf32>
    %reduce_sum3A_109 = arith.constant dense<0.000000e+00> : vector<64xf32>
    %reduce_sum3A_110 = vector.multi_reduction <add>, %select_n3A_108, %reduce_sum3A_109 [0] : vector<8x64xf32> to vector<64xf32>
    %broadcast_in_dim3A_111 = vector.shape_cast %reduce_sum3A_110 : vector<64xf32> to vector<1x64xf32>
    %sub3A_112 = arith.constant 1.000000e+00 : f32
    %sub3A_113 = vector.broadcast %sub3A_112 : f32 to vector<1x64xf32>
    %sub3A_114 = arith.subf %broadcast_in_dim3A_111, %sub3A_113 : vector<1x64xf32>
    %swap3A_115 = arith.constant 0 : index
    %swap3A_116 = arith.constant 0 : index
    %swap3A_117 = vector.load %arg8[%swap3A_115, %swap3A_116] : memref<1x64xf32, #tpu.memory_space<vmem>>, vector<1x64xf32>
    tpu.vector_store %arg8[%swap3A_115, %swap3A_116], %sub3A_114 {strides = array<i32>} : memref<1x64xf32, #tpu.memory_space<vmem>>, vector<1x64xf32>,
    %reduce_sum3A_118 = arith.constant dense<0.000000e+00> : vector<1xf32>
    %reduce_sum3A_119 = vector.multi_reduction <add>, %convert_element_type3A_90, %reduce_sum3A_118 [0] : vector<8x1xf32> to vector<1xf32>
    %broadcast_in_dim3A_120 = vector.shape_cast %reduce_sum3A_119 : vector<1xf32> to vector<1x1xf32>
    %lt3A_121 = vector.broadcast %broadcast_in_dim3A_120 : vector<1x1xf32> to vector<1x64xf32>
    %lt3A_122 = arith.cmpf olt, %convert_element_type3A_101, %lt3A_121 : vector<1x64xf32>
    %jit3A_123 = arith.constant 1.000000e+00 : f32
    %jit3A_124 = arith.constant 0.000000e+00 : f32
    %broadcast_in_dim3A_125 = vector.broadcast %jit3A_123 : f32 to vector<1x64xf32>
    %broadcast_in_dim3A_126 = vector.broadcast %jit3A_124 : f32 to vector<1x64xf32>
    %select_n3A_127 = arith.select %lt3A_122, %broadcast_in_dim3A_125, %broadcast_in_dim3A_126 : vector<1x64xi1>, vector<1x64xf32>
    %swap3A_128 = arith.constant 0 : index
    %swap3A_129 = arith.constant 0 : index
    %swap3A_130 = vector.load %arg9[%swap3A_128, %swap3A_129] : memref<1x64xf32, #tpu.memory_space<vmem>>, vector<1x64xf32>
    tpu.vector_store %arg9[%swap3A_128, %swap3A_129], %select_n3A_127 {strides = array<i32>} : memref<1x64xf32, #tpu.memory_space<vmem>>, vector<1x64xf32>,
    %iota3A_131 = tpu.iota {dimensions = array<i32: 0>} : vector<512x512xi32>
    %iota3A_132 = tpu.iota {dimensions = array<i32: 1>} : vector<512x512xi32>
    %lt3A_133 = arith.cmpi slt, %iota3A_131, %iota3A_132 : vector<512x512xi32>
    %convert_element_type3A_134 = arith.extui %lt3A_133 : vector<512x512xi1> to vector<512x512xi32>
    %convert_element_type3A_135 = arith.sitofp %convert_element_type3A_134 : vector<512x512xi32> to vector<512x512xf32>
    %broadcast_in_dim3A_136 = arith.constant 0.000000e+00 : f32
    %broadcast_in_dim3A_137 = vector.broadcast %broadcast_in_dim3A_136 : f32 to vector<8x1xf32>
    %slice3A = vector.extract_strided_slice %add3A_49 {offsets = [0, 0], sizes = [8, 512], strides = [1, 1]} : vector<8x2048xf32> to vector<8x512xf32>
    %dot_general3A_138 = arith.constant dense<0.000000e+00> : vector<8x512xf32>
    %dot_general3A_139 = tpu.matmul %slice3A, %convert_element_type3A_135, %dot_general3A_138 {dimension_numbers = #tpu.dot_dimension_numbers<[1], [0], [0], [1], [0, 0, 1, 1], [], []>, transpose_lhs_hint = false} : vector<8x512xf32>, vector<512x512xf32>, vector<8x512xf32> -> vector<8x512xf32>
    %add3A_140 = vector.broadcast %broadcast_in_dim3A_137 : vector<8x1xf32> to vector<8x512xf32>
    %add3A_141 = arith.addf %dot_general3A_139, %add3A_140 : vector<8x512xf32>
    %add3A_142 = vector.broadcast %dot_general3A_96 : vector<8x1xf32> to vector<8x512xf32>
    %add3A_143 = arith.addf %add3A_141, %add3A_142 : vector<8x512xf32>
    %reduce_sum3A_144 = arith.constant dense<0.000000e+00> : vector<8xf32>
    %reduce_sum3A_145 = vector.multi_reduction <add>, %slice3A, %reduce_sum3A_144 [1] : vector<8x512xf32> to vector<8xf32>
    %broadcast_in_dim3A_146 = vector.shape_cast %reduce_sum3A_145 : vector<8xf32> to vector<8x1xf32>
    %add3A_147 = arith.addf %broadcast_in_dim3A_137, %broadcast_in_dim3A_146 : vector<8x1xf32>
    %slice3A_148 = vector.extract_strided_slice %eq3A_21 {offsets = [0, 0], sizes = [8, 512], strides = [1, 1]} : vector<8x2048xi1> to vector<8x512xi1>
    %slice3A_149 = vector.extract_strided_slice %eq3A_37 {offsets = [0, 0], sizes = [8, 512], strides = [1, 1]} : vector<8x2048xi1> to vector<8x512xi1>
    %convert_element_type3A_150 = arith.extui %slice3A_148 : vector<8x512xi1> to vector<8x512xi32>
    %convert_element_type3A_151 = arith.sitofp %convert_element_type3A_150 : vector<8x512xi32> to vector<8x512xf32>
    %mul3A_152 = arith.mulf %add3A_143, %convert_element_type3A_151 : vector<8x512xf32>
    %reduce_sum3A_153 = arith.constant dense<0.000000e+00> : vector<512xf32>
    %reduce_sum3A_154 = vector.multi_reduction <add>, %mul3A_152, %reduce_sum3A_153 [0] : vector<8x512xf32> to vector<512xf32>
    %broadcast_in_dim3A_155 = vector.shape_cast %reduce_sum3A_154 : vector<512xf32> to vector<1x512xf32>
    %swap3A_156 = arith.constant 0 : index
    %swap3A_157 = arith.constant 0 : index
    %swap3A_158 = vector.load %arg3[%swap3A_156, %swap3A_157] : memref<1x2048xf32, #tpu.memory_space<vmem>>, vector<1x512xf32>
    tpu.vector_store %arg3[%swap3A_156, %swap3A_157], %broadcast_in_dim3A_155 {strides = array<i32>} : memref<1x2048xf32, #tpu.memory_space<vmem>>, vector<1x512xf32>,
    %convert_element_type3A_159 = arith.extui %slice3A_149 : vector<8x512xi1> to vector<8x512xi32>
    %convert_element_type3A_160 = arith.sitofp %convert_element_type3A_159 : vector<8x512xi32> to vector<8x512xf32>
    %mul3A_161 = arith.mulf %add3A_143, %convert_element_type3A_160 : vector<8x512xf32>
    %reduce_sum3A_162 = arith.constant dense<0.000000e+00> : vector<512xf32>
    %reduce_sum3A_163 = vector.multi_reduction <add>, %mul3A_161, %reduce_sum3A_162 [0] : vector<8x512xf32> to vector<512xf32>
    %broadcast_in_dim3A_164 = vector.shape_cast %reduce_sum3A_163 : vector<512xf32> to vector<1x512xf32>
    %swap3A_165 = arith.constant 0 : index
    %swap3A_166 = arith.constant 0 : index
    %swap3A_167 = vector.load %arg4[%swap3A_165, %swap3A_166] : memref<1x2048xf32, #tpu.memory_space<vmem>>, vector<1x512xf32>
    tpu.vector_store %arg4[%swap3A_165, %swap3A_166], %broadcast_in_dim3A_164 {strides = array<i32>} : memref<1x2048xf32, #tpu.memory_space<vmem>>, vector<1x512xf32>,
    %slice3A_168 = vector.extract_strided_slice %add3A_49 {offsets = [0, 512], sizes = [8, 512], strides = [1, 1]} : vector<8x2048xf32> to vector<8x512xf32>
    %dot_general3A_169 = arith.constant dense<0.000000e+00> : vector<8x512xf32>
    %dot_general3A_170 = tpu.matmul %slice3A_168, %convert_element_type3A_135, %dot_general3A_169 {dimension_numbers = #tpu.dot_dimension_numbers<[1], [0], [0], [1], [0, 0, 1, 1], [], []>, transpose_lhs_hint = false} : vector<8x512xf32>, vector<512x512xf32>, vector<8x512xf32> -> vector<8x512xf32>
    %add3A_171 = vector.broadcast %add3A_147 : vector<8x1xf32> to vector<8x512xf32>
    %add3A_172 = arith.addf %dot_general3A_170, %add3A_171 : vector<8x512xf32>
    %add3A_173 = vector.broadcast %dot_general3A_96 : vector<8x1xf32> to vector<8x512xf32>
    %add3A_174 = arith.addf %add3A_172, %add3A_173 : vector<8x512xf32>
    %reduce_sum3A_175 = arith.constant dense<0.000000e+00> : vector<8xf32>
    %reduce_sum3A_176 = vector.multi_reduction <add>, %slice3A_168, %reduce_sum3A_175 [1] : vector<8x512xf32> to vector<8xf32>
    %broadcast_in_dim3A_177 = vector.shape_cast %reduce_sum3A_176 : vector<8xf32> to vector<8x1xf32>
    %add3A_178 = arith.addf %add3A_147, %broadcast_in_dim3A_177 : vector<8x1xf32>
    %slice3A_179 = vector.extract_strided_slice %eq3A_21 {offsets = [0, 512], sizes = [8, 512], strides = [1, 1]} : vector<8x2048xi1> to vector<8x512xi1>
    %slice3A_180 = vector.extract_strided_slice %eq3A_37 {offsets = [0, 512], sizes = [8, 512], strides = [1, 1]} : vector<8x2048xi1> to vector<8x512xi1>
    %convert_element_type3A_181 = arith.extui %slice3A_179 : vector<8x512xi1> to vector<8x512xi32>
    %convert_element_type3A_182 = arith.sitofp %convert_element_type3A_181 : vector<8x512xi32> to vector<8x512xf32>
    %mul3A_183 = arith.mulf %add3A_174, %convert_element_type3A_182 : vector<8x512xf32>
    %reduce_sum3A_184 = arith.constant dense<0.000000e+00> : vector<512xf32>
    %reduce_sum3A_185 = vector.multi_reduction <add>, %mul3A_183, %reduce_sum3A_184 [0] : vector<8x512xf32> to vector<512xf32>
    %broadcast_in_dim3A_186 = vector.shape_cast %reduce_sum3A_185 : vector<512xf32> to vector<1x512xf32>
    %swap3A_187 = arith.constant 0 : index
    %swap3A_188 = arith.constant 512 : index
    %swap3A_189 = vector.load %arg3[%swap3A_187, %swap3A_188] : memref<1x2048xf32, #tpu.memory_space<vmem>>, vector<1x512xf32>
    tpu.vector_store %arg3[%swap3A_187, %swap3A_188], %broadcast_in_dim3A_186 {strides = array<i32>} : memref<1x2048xf32, #tpu.memory_space<vmem>>, vector<1x512xf32>,
    %convert_element_type3A_190 = arith.extui %slice3A_180 : vector<8x512xi1> to vector<8x512xi32>
    %convert_element_type3A_191 = arith.sitofp %convert_element_type3A_190 : vector<8x512xi32> to vector<8x512xf32>
    %mul3A_192 = arith.mulf %add3A_174, %convert_element_type3A_191 : vector<8x512xf32>
    %reduce_sum3A_193 = arith.constant dense<0.000000e+00> : vector<512xf32>
    %reduce_sum3A_194 = vector.multi_reduction <add>, %mul3A_192, %reduce_sum3A_193 [0] : vector<8x512xf32> to vector<512xf32>
    %broadcast_in_dim3A_195 = vector.shape_cast %reduce_sum3A_194 : vector<512xf32> to vector<1x512xf32>
    %swap3A_196 = arith.constant 0 : index
    %swap3A_197 = arith.constant 512 : index
    %swap3A_198 = vector.load %arg4[%swap3A_196, %swap3A_197] : memref<1x2048xf32, #tpu.memory_space<vmem>>, vector<1x512xf32>
    tpu.vector_store %arg4[%swap3A_196, %swap3A_197], %broadcast_in_dim3A_195 {strides = array<i32>} : memref<1x2048xf32, #tpu.memory_space<vmem>>, vector<1x512xf32>,
    %slice3A_199 = vector.extract_strided_slice %add3A_49 {offsets = [0, 1024], sizes = [8, 512], strides = [1, 1]} : vector<8x2048xf32> to vector<8x512xf32>
    %dot_general3A_200 = arith.constant dense<0.000000e+00> : vector<8x512xf32>
    %dot_general3A_201 = tpu.matmul %slice3A_199, %convert_element_type3A_135, %dot_general3A_200 {dimension_numbers = #tpu.dot_dimension_numbers<[1], [0], [0], [1], [0, 0, 1, 1], [], []>, transpose_lhs_hint = false} : vector<8x512xf32>, vector<512x512xf32>, vector<8x512xf32> -> vector<8x512xf32>
    %add3A_202 = vector.broadcast %add3A_178 : vector<8x1xf32> to vector<8x512xf32>
    %add3A_203 = arith.addf %dot_general3A_201, %add3A_202 : vector<8x512xf32>
    %add3A_204 = vector.broadcast %dot_general3A_96 : vector<8x1xf32> to vector<8x512xf32>
    %add3A_205 = arith.addf %add3A_203, %add3A_204 : vector<8x512xf32>
    %reduce_sum3A_206 = arith.constant dense<0.000000e+00> : vector<8xf32>
    %reduce_sum3A_207 = vector.multi_reduction <add>, %slice3A_199, %reduce_sum3A_206 [1] : vector<8x512xf32> to vector<8xf32>
    %broadcast_in_dim3A_208 = vector.shape_cast %reduce_sum3A_207 : vector<8xf32> to vector<8x1xf32>
    %add3A_209 = arith.addf %add3A_178, %broadcast_in_dim3A_208 : vector<8x1xf32>
    %slice3A_210 = vector.extract_strided_slice %eq3A_21 {offsets = [0, 1024], sizes = [8, 512], strides = [1, 1]} : vector<8x2048xi1> to vector<8x512xi1>
    %slice3A_211 = vector.extract_strided_slice %eq3A_37 {offsets = [0, 1024], sizes = [8, 512], strides = [1, 1]} : vector<8x2048xi1> to vector<8x512xi1>
    %convert_element_type3A_212 = arith.extui %slice3A_210 : vector<8x512xi1> to vector<8x512xi32>
    %convert_element_type3A_213 = arith.sitofp %convert_element_type3A_212 : vector<8x512xi32> to vector<8x512xf32>
    %mul3A_214 = arith.mulf %add3A_205, %convert_element_type3A_213 : vector<8x512xf32>
    %reduce_sum3A_215 = arith.constant dense<0.000000e+00> : vector<512xf32>
    %reduce_sum3A_216 = vector.multi_reduction <add>, %mul3A_214, %reduce_sum3A_215 [0] : vector<8x512xf32> to vector<512xf32>
    %broadcast_in_dim3A_217 = vector.shape_cast %reduce_sum3A_216 : vector<512xf32> to vector<1x512xf32>
    %swap3A_218 = arith.constant 0 : index
    %swap3A_219 = arith.constant 1024 : index
    %swap3A_220 = vector.load %arg3[%swap3A_218, %swap3A_219] : memref<1x2048xf32, #tpu.memory_space<vmem>>, vector<1x512xf32>
    tpu.vector_store %arg3[%swap3A_218, %swap3A_219], %broadcast_in_dim3A_217 {strides = array<i32>} : memref<1x2048xf32, #tpu.memory_space<vmem>>, vector<1x512xf32>,
    %convert_element_type3A_221 = arith.extui %slice3A_211 : vector<8x512xi1> to vector<8x512xi32>
    %convert_element_type3A_222 = arith.sitofp %convert_element_type3A_221 : vector<8x512xi32> to vector<8x512xf32>
    %mul3A_223 = arith.mulf %add3A_205, %convert_element_type3A_222 : vector<8x512xf32>
    %reduce_sum3A_224 = arith.constant dense<0.000000e+00> : vector<512xf32>
    %reduce_sum3A_225 = vector.multi_reduction <add>, %mul3A_223, %reduce_sum3A_224 [0] : vector<8x512xf32> to vector<512xf32>
    %broadcast_in_dim3A_226 = vector.shape_cast %reduce_sum3A_225 : vector<512xf32> to vector<1x512xf32>
    %swap3A_227 = arith.constant 0 : index
    %swap3A_228 = arith.constant 1024 : index
    %swap3A_229 = vector.load %arg4[%swap3A_227, %swap3A_228] : memref<1x2048xf32, #tpu.memory_space<vmem>>, vector<1x512xf32>
    tpu.vector_store %arg4[%swap3A_227, %swap3A_228], %broadcast_in_dim3A_226 {strides = array<i32>} : memref<1x2048xf32, #tpu.memory_space<vmem>>, vector<1x512xf32>,
    %slice3A_230 = vector.extract_strided_slice %add3A_49 {offsets = [0, 1536], sizes = [8, 512], strides = [1, 1]} : vector<8x2048xf32> to vector<8x512xf32>
    %dot_general3A_231 = arith.constant dense<0.000000e+00> : vector<8x512xf32>
    %dot_general3A_232 = tpu.matmul %slice3A_230, %convert_element_type3A_135, %dot_general3A_231 {dimension_numbers = #tpu.dot_dimension_numbers<[1], [0], [0], [1], [0, 0, 1, 1], [], []>, transpose_lhs_hint = false} : vector<8x512xf32>, vector<512x512xf32>, vector<8x512xf32> -> vector<8x512xf32>
    %add3A_233 = vector.broadcast %add3A_209 : vector<8x1xf32> to vector<8x512xf32>
    %add3A_234 = arith.addf %dot_general3A_232, %add3A_233 : vector<8x512xf32>
    %add3A_235 = vector.broadcast %dot_general3A_96 : vector<8x1xf32> to vector<8x512xf32>
    %add3A_236 = arith.addf %add3A_234, %add3A_235 : vector<8x512xf32>
    %slice3A_237 = vector.extract_strided_slice %eq3A_21 {offsets = [0, 1536], sizes = [8, 512], strides = [1, 1]} : vector<8x2048xi1> to vector<8x512xi1>
    %slice3A_238 = vector.extract_strided_slice %eq3A_37 {offsets = [0, 1536], sizes = [8, 512], strides = [1, 1]} : vector<8x2048xi1> to vector<8x512xi1>
    %convert_element_type3A_239 = arith.extui %slice3A_237 : vector<8x512xi1> to vector<8x512xi32>
    %convert_element_type3A_240 = arith.sitofp %convert_element_type3A_239 : vector<8x512xi32> to vector<8x512xf32>
    %mul3A_241 = arith.mulf %add3A_236, %convert_element_type3A_240 : vector<8x512xf32>
    %reduce_sum3A_242 = arith.constant dense<0.000000e+00> : vector<512xf32>
    %reduce_sum3A_243 = vector.multi_reduction <add>, %mul3A_241, %reduce_sum3A_242 [0] : vector<8x512xf32> to vector<512xf32>
    %broadcast_in_dim3A_244 = vector.shape_cast %reduce_sum3A_243 : vector<512xf32> to vector<1x512xf32>
    %swap3A_245 = arith.constant 0 : index
    %swap3A_246 = arith.constant 1536 : index
    %swap3A_247 = vector.load %arg3[%swap3A_245, %swap3A_246] : memref<1x2048xf32, #tpu.memory_space<vmem>>, vector<1x512xf32>
    tpu.vector_store %arg3[%swap3A_245, %swap3A_246], %broadcast_in_dim3A_244 {strides = array<i32>} : memref<1x2048xf32, #tpu.memory_space<vmem>>, vector<1x512xf32>,
    %convert_element_type3A_248 = arith.extui %slice3A_238 : vector<8x512xi1> to vector<8x512xi32>
    %convert_element_type3A_249 = arith.sitofp %convert_element_type3A_248 : vector<8x512xi32> to vector<8x512xf32>
    %mul3A_250 = arith.mulf %add3A_236, %convert_element_type3A_249 : vector<8x512xf32>
    %reduce_sum3A_251 = arith.constant dense<0.000000e+00> : vector<512xf32>
    %reduce_sum3A_252 = vector.multi_reduction <add>, %mul3A_250, %reduce_sum3A_251 [0] : vector<8x512xf32> to vector<512xf32>
    %broadcast_in_dim3A_253 = vector.shape_cast %reduce_sum3A_252 : vector<512xf32> to vector<1x512xf32>
    %swap3A_254 = arith.constant 0 : index
    %swap3A_255 = arith.constant 1536 : index
    %swap3A_256 = vector.load %arg4[%swap3A_254, %swap3A_255] : memref<1x2048xf32, #tpu.memory_space<vmem>>, vector<1x512xf32>
    tpu.vector_store %arg4[%swap3A_254, %swap3A_255], %broadcast_in_dim3A_253 {strides = array<i32>} : memref<1x2048xf32, #tpu.memory_space<vmem>>, vector<1x512xf32>,
    return
  }
}

module attributes {stable_mosaic.version = 14 : i64} {
  func.func @_shared_body(%arg0: i32, %arg1: memref<256x1024xf32, #tpu.memory_space<vmem>>, %arg2: memref<768x1024xf32, #tpu.memory_space<vmem>>, %arg3: memref<768x1024xf32, #tpu.memory_space<vmem>>, %arg4: memref<1024x768xf32, #tpu.memory_space<vmem>>, %arg5: memref<256x1024xf32, #tpu.memory_space<vmem>>) attributes {dimension_semantics = [#tpu.dimension_semantics<arbitrary>], iteration_bounds = array<i64: 8>, scalar_prefetch = 0 : i64, scratch_operands = 0 : i64, tpu.core_type = #tpu.core_type<tc>, window_params = [{transform_indices = @transform_0, window_bounds = array<i64: 256, 1024>}, {pipeline_mode = #tpu.pipeline_mode<synchronous>, transform_indices = @transform_1, window_bounds = array<i64: 768, 1024>}, {pipeline_mode = #tpu.pipeline_mode<synchronous>, transform_indices = @transform_2, window_bounds = array<i64: 768, 1024>}, {pipeline_mode = #tpu.pipeline_mode<synchronous>, transform_indices = @transform_3, window_bounds = array<i64: 1024, 768>}, {transform_indices = @transform_4, window_bounds = array<i64: 256, 1024>}]} {
    %get3A = arith.constant 0 : index
    %get3A_0 = arith.constant 0 : index
    %get3A_1 = vector.load %arg1[%get3A, %get3A_0] : memref<256x1024xf32, #tpu.memory_space<vmem>>, vector<256x1024xf32>
    %get3A_2 = arith.constant 0 : index
    %get3A_3 = arith.constant 0 : index
    %get3A_4 = vector.load %arg2[%get3A_2, %get3A_3] : memref<768x1024xf32, #tpu.memory_space<vmem>>, vector<768x1024xf32>
    %get3A_5 = arith.constant 0 : index
    %get3A_6 = arith.constant 0 : index
    %get3A_7 = vector.load %arg3[%get3A_5, %get3A_6] : memref<768x1024xf32, #tpu.memory_space<vmem>>, vector<768x1024xf32>
    %get3A_8 = arith.constant 0 : index
    %get3A_9 = arith.constant 0 : index
    %get3A_10 = vector.load %arg4[%get3A_8, %get3A_9] : memref<1024x768xf32, #tpu.memory_space<vmem>>, vector<1024x768xf32>
    %dot_general3A = arith.constant dense<0.000000e+00> : vector<256x768xf32>
    %dot_general3A_11 = tpu.matmul %get3A_1, %get3A_4, %dot_general3A {dimension_numbers = #tpu.dot_dimension_numbers<[1], [1], [0], [0], [0, 0, 1, 0], [], []>, transpose_lhs_hint = false} : vector<256x1024xf32>, vector<768x1024xf32>, vector<256x768xf32> -> vector<256x768xf32>
    %dot_general3A_12 = arith.constant dense<0.000000e+00> : vector<256x768xf32>
    %dot_general3A_13 = tpu.matmul %get3A_1, %get3A_7, %dot_general3A_12 {dimension_numbers = #tpu.dot_dimension_numbers<[1], [1], [0], [0], [0, 0, 1, 0], [], []>, transpose_lhs_hint = false} : vector<256x1024xf32>, vector<768x1024xf32>, vector<256x768xf32> -> vector<256x768xf32>
    %logistic3A = arith.negf %dot_general3A_11 : vector<256x768xf32>
    %logistic3A_14 = math.exp %logistic3A : vector<256x768xf32>
    %logistic3A_15 = arith.constant 1.000000e+00 : f32
    %logistic3A_16 = vector.broadcast %logistic3A_15 : f32 to vector<256x768xf32>
    %logistic3A_17 = arith.addf %logistic3A_16, %logistic3A_14 : vector<256x768xf32>
    %logistic3A_18 = arith.divf %logistic3A_16, %logistic3A_17 : vector<256x768xf32>
    %mul3A = arith.mulf %dot_general3A_11, %logistic3A_18 : vector<256x768xf32>
    %mul3A_19 = arith.mulf %mul3A, %dot_general3A_13 : vector<256x768xf32>
    %dot_general3A_20 = arith.constant dense<0.000000e+00> : vector<256x1024xf32>
    %dot_general3A_21 = tpu.matmul %mul3A_19, %get3A_10, %dot_general3A_20 {dimension_numbers = #tpu.dot_dimension_numbers<[1], [1], [0], [0], [0, 0, 1, 0], [], []>, transpose_lhs_hint = false} : vector<256x768xf32>, vector<1024x768xf32>, vector<256x1024xf32> -> vector<256x1024xf32>
    %swap3A = arith.constant 0 : index
    %swap3A_22 = arith.constant 0 : index
    %swap3A_23 = vector.load %arg5[%swap3A, %swap3A_22] : memref<256x1024xf32, #tpu.memory_space<vmem>>, vector<256x1024xf32>
    tpu.vector_store %arg5[%swap3A, %swap3A_22], %dot_general3A_21 {strides = array<i32>} : memref<256x1024xf32, #tpu.memory_space<vmem>>, vector<256x1024xf32>,
    return
  }
  func.func @transform_0(%arg0: i32) -> (i32, i32) {
    %c0_i32 = arith.constant 0 : i32
    %c0_i32_0 = arith.constant 0 : i32
    return %arg0, %c0_i32 : i32, i32
  }
  func.func @transform_1(%arg0: i32) -> (i32, i32) {
    %c0_i32 = arith.constant 0 : i32
    %c0_i32_0 = arith.constant 0 : i32
    %c0_i32_1 = arith.constant 0 : i32
    return %c0_i32, %c0_i32_0 : i32, i32
  }
  func.func @transform_2(%arg0: i32) -> (i32, i32) {
    %c0_i32 = arith.constant 0 : i32
    %c0_i32_0 = arith.constant 0 : i32
    %c0_i32_1 = arith.constant 0 : i32
    return %c0_i32, %c0_i32_0 : i32, i32
  }
  func.func @transform_3(%arg0: i32) -> (i32, i32) {
    %c0_i32 = arith.constant 0 : i32
    %c0_i32_0 = arith.constant 0 : i32
    %c0_i32_1 = arith.constant 0 : i32
    return %c0_i32, %c0_i32_0 : i32, i32
  }
  func.func @transform_4(%arg0: i32) -> (i32, i32) {
    %c0_i32 = arith.constant 0 : i32
    %c0_i32_0 = arith.constant 0 : i32
    return %arg0, %c0_i32 : i32, i32
  }
}

module attributes {stable_mosaic.version = 14 : i64} {
  func.func @_gmm_body(%arg0: i32, %arg1: memref<16xi32, #tpu.memory_space<smem>>, %arg2: memref<16xi32, #tpu.memory_space<smem>>, %arg3: memref<512x1024xf32, #tpu.memory_space<vmem>>, %arg4: memref<1x384x1024xf32, #tpu.memory_space<vmem>>, %arg5: memref<1x384x1024xf32, #tpu.memory_space<vmem>>, %arg6: memref<1x1024x384xf32, #tpu.memory_space<vmem>>, %arg7: memref<512x1024xf32, #tpu.memory_space<vmem>>) attributes {dimension_semantics = [#tpu.dimension_semantics<arbitrary>], iteration_bounds = array<i64: 16>, scalar_prefetch = 2 : i64, scratch_operands = 0 : i64, tpu.core_type = #tpu.core_type<tc>, window_params = [{transform_indices = @transform_0, window_bounds = array<i64: 512, 1024>}, {transform_indices = @transform_1, window_bounds = array<i64: 1, 384, 1024>}, {transform_indices = @transform_2, window_bounds = array<i64: 1, 384, 1024>}, {transform_indices = @transform_3, window_bounds = array<i64: 1, 1024, 384>}, {transform_indices = @transform_4, window_bounds = array<i64: 512, 1024>}]} {
    %get3A = arith.index_cast %arg0 : i32 to index
    %get3A_0 = memref.load %arg2[%get3A] : memref<16xi32, #tpu.memory_space<smem>>
    %gt3A = arith.constant 0 : i32
    %gt3A_1 = arith.cmpi sgt, %get3A_0, %gt3A : i32
    %convert_element_type3A = arith.extui %gt3A_1 : i1 to i32
    %cond3A = arith.constant 0 : i32
    %cond3A_2 = arith.cmpi ne, %convert_element_type3A, %cond3A : i32
    scf.if %cond3A_2 {
      %get3A_3 = arith.constant 0 : index
      %get3A_4 = arith.constant 0 : index
      %get3A_5 = vector.load %arg3[%get3A_3, %get3A_4] : memref<512x1024xf32, #tpu.memory_space<vmem>>, vector<512x1024xf32>
      %get3A_6 = arith.constant 0 : index
      %get3A_7 = arith.constant 0 : index
      %get3A_8 = arith.constant 0 : index
      %get3A_9 = vector.load %arg4[%get3A_6, %get3A_7, %get3A_8] : memref<1x384x1024xf32, #tpu.memory_space<vmem>>, vector<1x384x1024xf32>
      %get3A_10 = vector.shape_cast %get3A_9 : vector<1x384x1024xf32> to vector<384x1024xf32>
      %get3A_11 = arith.constant 0 : index
      %get3A_12 = arith.constant 0 : index
      %get3A_13 = arith.constant 0 : index
      %get3A_14 = vector.load %arg5[%get3A_11, %get3A_12, %get3A_13] : memref<1x384x1024xf32, #tpu.memory_space<vmem>>, vector<1x384x1024xf32>
      %get3A_15 = vector.shape_cast %get3A_14 : vector<1x384x1024xf32> to vector<384x1024xf32>
      %get3A_16 = arith.constant 0 : index
      %get3A_17 = arith.constant 0 : index
      %get3A_18 = arith.constant 0 : index
      %get3A_19 = vector.load %arg6[%get3A_16, %get3A_17, %get3A_18] : memref<1x1024x384xf32, #tpu.memory_space<vmem>>, vector<1x1024x384xf32>
      %get3A_20 = vector.shape_cast %get3A_19 : vector<1x1024x384xf32> to vector<1024x384xf32>
      %dot_general3A = arith.constant dense<0.000000e+00> : vector<512x384xf32>
      %dot_general3A_21 = tpu.matmul %get3A_5, %get3A_10, %dot_general3A {dimension_numbers = #tpu.dot_dimension_numbers<[1], [1], [0], [0], [0, 0, 1, 0], [], []>, transpose_lhs_hint = false} : vector<512x1024xf32>, vector<384x1024xf32>, vector<512x384xf32> -> vector<512x384xf32>
      %dot_general3A_22 = arith.constant dense<0.000000e+00> : vector<512x384xf32>
      %dot_general3A_23 = tpu.matmul %get3A_5, %get3A_15, %dot_general3A_22 {dimension_numbers = #tpu.dot_dimension_numbers<[1], [1], [0], [0], [0, 0, 1, 0], [], []>, transpose_lhs_hint = false} : vector<512x1024xf32>, vector<384x1024xf32>, vector<512x384xf32> -> vector<512x384xf32>
      %logistic3A = arith.negf %dot_general3A_21 : vector<512x384xf32>
      %logistic3A_24 = math.exp %logistic3A : vector<512x384xf32>
      %logistic3A_25 = arith.constant 1.000000e+00 : f32
      %logistic3A_26 = vector.broadcast %logistic3A_25 : f32 to vector<512x384xf32>
      %logistic3A_27 = arith.addf %logistic3A_26, %logistic3A_24 : vector<512x384xf32>
      %logistic3A_28 = arith.divf %logistic3A_26, %logistic3A_27 : vector<512x384xf32>
      %mul3A = arith.mulf %dot_general3A_21, %logistic3A_28 : vector<512x384xf32>
      %mul3A_29 = arith.mulf %mul3A, %dot_general3A_23 : vector<512x384xf32>
      %dot_general3A_30 = arith.constant dense<0.000000e+00> : vector<512x1024xf32>
      %dot_general3A_31 = tpu.matmul %mul3A_29, %get3A_20, %dot_general3A_30 {dimension_numbers = #tpu.dot_dimension_numbers<[1], [1], [0], [0], [0, 0, 1, 0], [], []>, transpose_lhs_hint = false} : vector<512x384xf32>, vector<1024x384xf32>, vector<512x1024xf32> -> vector<512x1024xf32>
      %swap3A = arith.constant 0 : index
      %swap3A_32 = arith.constant 0 : index
      %swap3A_33 = vector.load %arg7[%swap3A, %swap3A_32] : memref<512x1024xf32, #tpu.memory_space<vmem>>, vector<512x1024xf32>
      tpu.vector_store %arg7[%swap3A, %swap3A_32], %dot_general3A_31 {strides = array<i32>} : memref<512x1024xf32, #tpu.memory_space<vmem>>, vector<512x1024xf32>,
    } else {
    }
    return
  }
  func.func @transform_0(%arg0: i32, %arg1: memref<16xi32, #tpu.memory_space<smem>>, %arg2: memref<16xi32, #tpu.memory_space<smem>>) -> (i32, i32) {
    %c0_i32 = arith.constant 0 : i32
    %c0_i32_0 = arith.constant 0 : i32
    return %arg0, %c0_i32 : i32, i32
  }
  func.func @transform_1(%arg0: i32, %arg1: memref<16xi32, #tpu.memory_space<smem>>, %arg2: memref<16xi32, #tpu.memory_space<smem>>) -> (i32, i32, i32) {
    %get3A = arith.index_cast %arg0 : i32 to index
    %get3A_0 = memref.load %arg1[%get3A] : memref<16xi32, #tpu.memory_space<smem>>
    %c0_i32 = arith.constant 0 : i32
    %c0_i32_1 = arith.constant 0 : i32
    %c0_i32_2 = arith.constant 0 : i32
    return %get3A_0, %c0_i32, %c0_i32_1 : i32, i32, i32
  }
  func.func @transform_2(%arg0: i32, %arg1: memref<16xi32, #tpu.memory_space<smem>>, %arg2: memref<16xi32, #tpu.memory_space<smem>>) -> (i32, i32, i32) {
    %get3A = arith.index_cast %arg0 : i32 to index
    %get3A_0 = memref.load %arg1[%get3A] : memref<16xi32, #tpu.memory_space<smem>>
    %c0_i32 = arith.constant 0 : i32
    %c0_i32_1 = arith.constant 0 : i32
    %c0_i32_2 = arith.constant 0 : i32
    return %get3A_0, %c0_i32, %c0_i32_1 : i32, i32, i32
  }
  func.func @transform_3(%arg0: i32, %arg1: memref<16xi32, #tpu.memory_space<smem>>, %arg2: memref<16xi32, #tpu.memory_space<smem>>) -> (i32, i32, i32) {
    %get3A = arith.index_cast %arg0 : i32 to index
    %get3A_0 = memref.load %arg1[%get3A] : memref<16xi32, #tpu.memory_space<smem>>
    %c0_i32 = arith.constant 0 : i32
    %c0_i32_1 = arith.constant 0 : i32
    %c0_i32_2 = arith.constant 0 : i32
    return %get3A_0, %c0_i32, %c0_i32_1 : i32, i32, i32
  }
  func.func @transform_4(%arg0: i32, %arg1: memref<16xi32, #tpu.memory_space<smem>>, %arg2: memref<16xi32, #tpu.memory_space<smem>>) -> (i32, i32) {
    %c0_i32 = arith.constant 0 : i32
    %c0_i32_0 = arith.constant 0 : i32
    return %arg0, %c0_i32 : i32, i32
  }
}

module attributes {stable_mosaic.version = 14 : i64} {
  func.func @_combine_body(%arg0: i32, %arg1: memref<256x1024xf32, #tpu.memory_space<vmem>>, %arg2: memref<256x1024xf32, #tpu.memory_space<vmem>>, %arg3: memref<256x1024xf32, #tpu.memory_space<vmem>>, %arg4: memref<256x1xf32, #tpu.memory_space<vmem>>, %arg5: memref<256x1xf32, #tpu.memory_space<vmem>>, %arg6: memref<256x1024xf32, #tpu.memory_space<vmem>>) attributes {dimension_semantics = [#tpu.dimension_semantics<arbitrary>], iteration_bounds = array<i64: 8>, scalar_prefetch = 0 : i64, scratch_operands = 0 : i64, tpu.core_type = #tpu.core_type<tc>, window_params = [{transform_indices = @transform_0, window_bounds = array<i64: 256, 1024>}, {transform_indices = @transform_1, window_bounds = array<i64: 256, 1024>}, {transform_indices = @transform_2, window_bounds = array<i64: 256, 1024>}, {transform_indices = @transform_3, window_bounds = array<i64: 256, 1>}, {transform_indices = @transform_4, window_bounds = array<i64: 256, 1>}, {transform_indices = @transform_5, window_bounds = array<i64: 256, 1024>}]} {
    %get3A = arith.constant 0 : index
    %get3A_0 = arith.constant 0 : index
    %get3A_1 = vector.load %arg1[%get3A, %get3A_0] : memref<256x1024xf32, #tpu.memory_space<vmem>>, vector<256x1024xf32>
    %get3A_2 = arith.constant 0 : index
    %get3A_3 = arith.constant 0 : index
    %get3A_4 = vector.load %arg4[%get3A_2, %get3A_3] : memref<256x1xf32, #tpu.memory_space<vmem>>, vector<256x1xf32>
    %get3A_5 = arith.constant 0 : index
    %get3A_6 = arith.constant 0 : index
    %get3A_7 = vector.load %arg2[%get3A_5, %get3A_6] : memref<256x1024xf32, #tpu.memory_space<vmem>>, vector<256x1024xf32>
    %mul3A = vector.broadcast %get3A_4 : vector<256x1xf32> to vector<256x1024xf32>
    %mul3A_8 = arith.mulf %mul3A, %get3A_7 : vector<256x1024xf32>
    %add3A = arith.addf %get3A_1, %mul3A_8 : vector<256x1024xf32>
    %get3A_9 = arith.constant 0 : index
    %get3A_10 = arith.constant 0 : index
    %get3A_11 = vector.load %arg5[%get3A_9, %get3A_10] : memref<256x1xf32, #tpu.memory_space<vmem>>, vector<256x1xf32>
    %get3A_12 = arith.constant 0 : index
    %get3A_13 = arith.constant 0 : index
    %get3A_14 = vector.load %arg3[%get3A_12, %get3A_13] : memref<256x1024xf32, #tpu.memory_space<vmem>>, vector<256x1024xf32>
    %mul3A_15 = vector.broadcast %get3A_11 : vector<256x1xf32> to vector<256x1024xf32>
    %mul3A_16 = arith.mulf %mul3A_15, %get3A_14 : vector<256x1024xf32>
    %add3A_17 = arith.addf %add3A, %mul3A_16 : vector<256x1024xf32>
    %swap3A = arith.constant 0 : index
    %swap3A_18 = arith.constant 0 : index
    %swap3A_19 = vector.load %arg6[%swap3A, %swap3A_18] : memref<256x1024xf32, #tpu.memory_space<vmem>>, vector<256x1024xf32>
    tpu.vector_store %arg6[%swap3A, %swap3A_18], %add3A_17 {strides = array<i32>} : memref<256x1024xf32, #tpu.memory_space<vmem>>, vector<256x1024xf32>,
    return
  }
  func.func @transform_0(%arg0: i32) -> (i32, i32) {
    %c0_i32 = arith.constant 0 : i32
    %c0_i32_0 = arith.constant 0 : i32
    return %arg0, %c0_i32 : i32, i32
  }
  func.func @transform_1(%arg0: i32) -> (i32, i32) {
    %c0_i32 = arith.constant 0 : i32
    %c0_i32_0 = arith.constant 0 : i32
    return %arg0, %c0_i32 : i32, i32
  }
  func.func @transform_2(%arg0: i32) -> (i32, i32) {
    %add3A = arith.constant 8 : i32
    %add3A_0 = arith.addi %arg0, %add3A : i32
    %c0_i32 = arith.constant 0 : i32
    %c0_i32_1 = arith.constant 0 : i32
    return %add3A_0, %c0_i32 : i32, i32
  }
  func.func @transform_3(%arg0: i32) -> (i32, i32) {
    %c0_i32 = arith.constant 0 : i32
    %c0_i32_0 = arith.constant 0 : i32
    return %arg0, %c0_i32 : i32, i32
  }
  func.func @transform_4(%arg0: i32) -> (i32, i32) {
    %c0_i32 = arith.constant 0 : i32
    %c0_i32_0 = arith.constant 0 : i32
    return %arg0, %c0_i32 : i32, i32
  }
  func.func @transform_5(%arg0: i32) -> (i32, i32) {
    %c0_i32 = arith.constant 0 : i32
    %c0_i32_0 = arith.constant 0 : i32
    return %arg0, %c0_i32 : i32, i32
  }
}

</mosaic_0001>

<sc_bundles>
// kernel: kernel.11.cloned.1.call-start
scs
__scs_entry_jumppad:
0x0: {  	(pc) =	sbr.rel $0x88, $3  }
0x1: {  	(tag) =	ssettag $0x0;
	lr =	simm.s32 $0x1  }
0x2: {  	[smem:$0x3F98] =	sst lr;
	_ =	strace $0xD0000000  }
0x3: {  	_ = 	snop  }
0x4: {  	_ = 	snop  }
0x5: {  	_ = 	snop  }
0x6: {  	_ = 	snop  }
0x7: {  	_ = 	snop  }
__scs_overlays_trampoline_lowered:
0x8: {  	[smem:$0x3FA7] =	sst s0  }
0x9: {  	[smem:$0x3FA8] =	sst s1  }
0xa: {  	[smem:$0x3FA9] =	sst s2  }
0xb: {  	[smem:$0x3FAA] =	sst s3  }
0xc: {  	[smem:$0x3FAB] =	sst s4  }
0xd: {  	[smem:$0x3FAC] =	sst s5  }
0xe: {  	[smem:$0x3FAD] =	sst s6  }
0xf: {  	[smem:$0x3FAE] =	sst s7  }
0x10: {  	[smem:$0x3FAF] =	sst s8  }
0x11: {  	[smem:$0x3FB0] =	sst s9;
	s0 =	simm.s32 @!p0 $0x0  }
0x12: {  	s1 =	sld [smem:$0x3F96];
	s0 =	simm.s32 @p0 $0x1  }
0x13: {  	[smem:$0x3FB1] =	sst s0;
	s0 =	simm.s32 @!p1 $0x0  }
0x14: {  	s2 =	sld [smem:$0x3F95];
	s0 =	simm.s32 @p1 $0x1  }
0x15: {  	[smem:$0x3FB2] =	sst s0;
	s0 =	simm.s32 @!p2 $0x0  }
0x16: {  	s3 =	sld [smem:$0x3FDB];
	s0 =	simm.s32 @p2 $0x1  }
0x17: {  	s4 =	simm.s32 $0x1BF5;
	[smem:$0x3FB4] =	sst s0  }
0x18: {  	s0 =	sld [smem:$0x3F97];
	_ =	swait.ge [sflag:s4], $0x0  }
0x19: {  	s7 =	sld [smem:$0x3F98]  }
0x1a: {  	s8 =	sadd.s32 $0xFFFFE003, lr  }
0x1b: {  	s9 =	sadd.s32 $0xFFFFFEF7, lr;
	s5 =	simm.s32 $0xFFFFFFFF;
	p2 =	slt.u32 s8, $0xFFFFF086  }
0x1c: {  	p1 =	slt.u32 s9, $0xF7A;
	s5 =	simm.s32 @!p2 $0x0  }
0x1d: {  	s5 =	simm.s32 @p1 $0x1;
	p0 =	seq.s32 s7, s2  }
0x1e: {  	s7 =	smul.u32 @!p0 $0xF7A, s2;
	p2 =	seq.s32 @!p0 s5, $0x0  }
0x1f: {  	s9 =	smul.u32 $0xF7A, s1;
	s8 =	simm.s32 @!p0 $0x1BF5;
	p2 =	por !p2, p0  }
0x20: {  	[sflag:s8] =	ssyncset.s32 @!p0 $0xFFFFF086;
	s6 =	sadd.s32 @!p0 s3, s7;
	s7 =	simm.s32 @!p0 $0x108  }
0x21: {  	s3 =	sadd.s32 s3, s9;
	s6 =	sadd.s32 @!p0 $0x88, s6;
	s7 =	simm.s32 @p2 $0x1082  }
0x22: {  	[simem:s7], [sflag:s8] =	dma.local @!p0 [hbm:s6], $0xF7A  }
0x23: {  	s9 =	sor.u32 $0xD0000000, s2;
	s6 =	simm.s32 $0x108;
	_ =	swait.ge @!p0 [sflag:s8], $0x0  }
0x24: {  	s3 =	sadd.s32 $0x88, s3;
	s6 =	simm.s32 @!p1 $0x1082;
	[sflag:s4] =	ssyncset.s32 $0xFFFFF086  }
0x25: {  	[simem:s6], [sflag:s4] =	dma.local [hbm:s3], $0xF7A  }
0x26: {  	[smem:$0x3F98] =	sst s1;
	(tag) =	ssettag s2;
	_ =	strace s9  }
0x27: {  	s1 =	sld [smem:$0x3FA8]  }
0x28: {  	s2 =	sld [smem:$0x3FA9]  }
0x29: {  	s4 =	sld [smem:$0x3FAB]  }
0x2a: {  	p0 =	seq.s32 s5, $0x0;
	s5 =	sld [smem:$0x3FAC]  }
0x2b: {  	s6 =	sld [smem:$0x3FAD]  }
0x2c: {  	s7 =	sld [smem:$0x3FAE]  }
0x2d: {  	s3 =	simm.s32 $0x108;
	s8 =	sld [smem:$0x3FAF]  }
0x2e: {  	s3 =	simm.s32 @!p0 $0x1082;
	s9 =	sld [smem:$0x3FB0]  }
0x2f: {  	lr =	sadd.s32 s0, s3;
	s0 =	sld [smem:$0x3FA7]  }
0x30: {  	s3 =	sld [smem:$0x3FAA]  }
0x31: {  	[smem:$0x3FB3] =	sst s10  }
0x32: {  	s10 =	sld [smem:$0x3FB1];
	_ =	sdelay $0x3  }
0x33: {  	p0 =	seq.s32 s10, $0x1;
	s10 =	sld [smem:$0x3FB3];
	_ =	sdelay $0x3  }
0x34: {  	[smem:$0x3FB3] =	sst s10  }
0x35: {  	s10 =	sld [smem:$0x3FB2];
	_ =	sdelay $0x3  }
0x36: {  	p1 =	seq.s32 s10, $0x1;
	s10 =	sld [smem:$0x3FB3];
	_ =	sdelay $0x3  }
0x37: {  	[smem:$0x3FB3] =	sst s10  }
0x38: {  	s10 =	sld [smem:$0x3FB4]  }
0x39: {  	_ = 	snop;
	(pc) =	sbr.ind lr, $3  }
0x3a: {  	_ = 	snop  }
0x3b: {  	_ = 	snop  }
0x3c: {  	p2 =	seq.s32 s10, $0x1;
	s10 =	sld [smem:$0x3FB3]  }
0x3d: {  	_ =	shalt  }
0x3e: {  	_ =	shalt  }
0x3f: {  	_ =	shalt  }
0x40: {  	_ =	shalt  }
0x41: {  	_ =	shalt  }
0x42: {  	_ =	shalt  }
0x43: {  	_ =	shalt  }
0x44: {  	_ =	shalt  }
0x45: {  	_ =	shalt  }
0x46: {  	_ =	shalt  }
0x47: {  	_ =	shalt  }
0x48: {  	_ =	shalt  }
0x49: {  	_ =	shalt  }
0x4a: {  	_ =	shalt  }
0x4b: {  	_ =	shalt  }
0x4c: {  	_ =	shalt  }
0x4d: {  	_ =	shalt  }
0x4e: {  	_ =	shalt  }
0x4f: {  	_ =	shalt  }
0x50: {  	_ =	shalt  }
0x51: {  	_ =	shalt  }
0x52: {  	_ =	shalt  }
0x53: {  	_ =	shalt  }
0x54: {  	_ =	shalt  }
0x55: {  	_ =	shalt  }
0x56: {  	_ =	shalt  }
0x57: {  	_ =	shalt  }
0x58: {  	_ =	shalt  }
0x59: {  	_ =	shalt  }
0x5a: {  	_ =	shalt  }
0x5b: {  	_ =	shalt  }
0x5c: {  	_ =	shalt  }
0x5d: {  	_ =	shalt  }
0x5e: {  	_ =	shalt  }
0x5f: {  	_ =	shalt  }
0x60: {  	_ =	shalt  }
0x61: {  	_ =	shalt  }
0x62: {  	_ =	shalt  }
0x63: {  	_ =	shalt  }
0x64: {  	_ =	shalt  }
0x65: {  	_ =	shalt  }
0x66: {  	_ =	shalt  }
0x67: {  	_ =	shalt  }
0x68: {  	_ =	shalt  }
0x69: {  	_ =	shalt  }
0x6a: {  	_ =	shalt  }
0x6b: {  	_ =	shalt  }
0x6c: {  	_ =	shalt  }
0x6d: {  	_ =	shalt  }
0x6e: {  	_ =	shalt  }
0x6f: {  	_ =	shalt  }
0x70: {  	_ =	shalt  }
0x71: {  	_ =	shalt  }
0x72: {  	_ =	shalt  }
0x73: {  	_ =	shalt  }
0x74: {  	_ =	shalt  }
0x75: {  	_ =	shalt  }
0x76: {  	_ =	shalt  }
0x77: {  	_ =	shalt  }
0x78: {  	_ =	shalt  }
0x79: {  	_ =	shalt  }
0x7a: {  	_ =	shalt  }
0x7b: {  	_ =	shalt  }
0x7c: {  	_ =	shalt  }
0x7d: {  	_ =	shalt  }
0x7e: {  	_ =	shalt  }
0x7f: {  	_ =	shalt  }
0x80: {  	_ =	shalt  }
0x81: {  	_ =	shalt  }
0x82: {  	_ =	shalt  }
0x83: {  	_ =	shalt  }
0x84: {  	_ =	shalt  }
0x85: {  	_ =	shalt  }
0x86: {  	_ =	shalt  }
0x87: {  	_ =	shalt  }
.Lfunc_end0:
.L_simem_size_0:
called_computation.1_lowered:
.L_overlay_start_0:
0x88: {  	s2 =	sld [smem:$0x3FD9]  }
0x89: {  	s3 =	sld [smem:$0x3FFE];
	_ =	sdelay $0x1  }
0x8a: {  	s1 =	srdreg.scid  }
0x8b: {  	s0 =	sand.u32 $0x1, s1  }
0x8c: {  	s14 =	sshll.u32 s0, $0xA;
	s2 =	sadd.s32 s3, s2  }
0x8d: {  	s2 =	sadd.s32 s2, s14  }
0x8e: {  	[smem:$0x3FBF] =	sst s2  }
0x8f: {  	_ = 	snop  }
0x90: {  	s2 =	sld [smem:$0x3FD0];
	_ =	sdelay $0x2  }
0x91: {  	s15 =	simm.s32 $0xA;
	s4 =	simm.s32 $0x10  }
0x92: {  	[smem:s4], [sflag:s15] =	dma.local [hbm:s2], $0x1  }
0x93: {  	_ =	swait.eq [sflag:s15], $0x1  }
0x94: {  	[sflag:s15] =	ssyncset.done $0x0  }
0x95: {  	[sflag:s15] =	ssyncadd.s32 $0xFFFFFFFF  }
0x96: {  	s16 =	sld [smem:$0x10];
	(tm) =	ssettm $0x1  }
0x97: {  	s17 =	sld [smem:$0x3FFB];
	_ =	sdelay $0x3  }
0x98: {  	_ =	strace s17  }
0x99: {  	s3 =	sld [smem:$0x3FFC];
	_ =	sdelay $0x3  }
0x9a: {  	_ =	strace s3  }
0x9b: {  	s3 =	sld [smem:$0x3FFD];
	_ =	sdelay $0x3  }
0x9c: {  	_ =	strace s3  }
0x9d: {  	_ =	strace $0x8FFFFFFF  }
0x9e: {  	s18 =	sld [smem:$0x3FDB];
	_ =	sdelay $0x1  }
0x9f: {  	s19 =	simm.s32 $_scs_section_size  }
0xa0: {  	s5 =	simm.s32 $_size__tile_overlayer_lowered;
	s6 =	simm.s32 $_tile_overlayer_lowered  }
0xa1: {  	s22 =	simm.s32 $0x1BFF;
	s21 =	sshll.u32 s6, $0x1;
	s3 =	sadd.s32 s19, s18  }
0xa2: {  	s7 =	simm.s32 $0x0;
	s20 =	sshll.u32 s5, $0x1;
	s5 =	sadd.s32 s21, s3  }
0xa3: {  	[timem:s7], [sflag:s22] =	dma.local [hbm:s5], s20  }
0xa4: {  	_ =	swait.ge [sflag:s22], s20  }
0xa5: {  	s4 =	ssub.s32 $0x0, s20;
	[sflag:s22] =	ssyncset.done $0x0  }
0xa6: {  	[sflag:s22] =	ssyncadd.s32 s4;
	_ =	sdelay $0x1  }
0xa7: {  	s23 =	simm.s32 $0x1B8B  }
0xa8: {  	_ =	swait.ge [sflag:s23], $0x1  }
0xa9: {  	[sflag:s23] =	ssyncset.done $0x0  }
0xaa: {  	s25 =	simm.s32 $0x1B8E;
	s24 =	sld [smem:$0x3FFE];
	[sflag:s23] =	ssyncadd.s32 $0xFFFFFFFF  }
0xab: {  	s26 =	simm.s32 $execute0_lowered;
	[smem:$0x3FD2] =	sst s25  }
0xac: {  	s5 =	sshll.u32 s26, $0x1;
	_ =	strace $0x80000049;
	[dreg:$0x1] =	wrdreg $0xFFFFFFFF  }
0xad: {  	s28 =	simm.s32 $_size_execute0_lowered;
	s3 =	sadd.s32 s3, s5;
	[dreg:$0x0] =	wrdreg $0x0  }
0xae: {  	s5 =	sshll.u32 s28, $0x1;
	[dreg:$0x2] =	wrdreg s3  }
0xaf: {  	[dreg:$0x3] =	wrdreg s5  }
0xb0: {  	[dreg:$0x4] =	wrdreg $0xC0  }
0xb1: {  	_ =	task [dreg:s7], $0x5FFFF  }
0xb2: {  	[dreg:$0x1] =	wrdreg $0xFFFFFFFF  }
0xb3: {  	[dreg:$0x0] =	wrdreg $0x60  }
0xb4: {  	[dreg:$0x2] =	wrdreg s24  }
0xb5: {  	[dreg:$0x3] =	wrdreg s16  }
0xb6: {  	[dreg:$0x4] =	wrdreg $0x9  }
0xb7: {  	_ =	task.clear_ibuf [dreg:s7], $0x5FFFF;
	_ =	strace $0x90000049  }
0xb8: {  	s29 =	simm.s32 $0x9;
	_ =	strace $0x8000004B  }
0xb9: {  	_ =	swait.ge [sflag:s29], $0x1  }
0xba: {  	[sflag:s29] =	ssyncadd.s32 $0xFFFFFFFF  }
0xbb: {  	_ =	strace $0x9000004B  }
0xbc: {  	_ =	sfence  }
0xbd: {  	s30 =	sld [smem:$0x0];
	_ =	sdelay $0x2  }
0xbe: {  	s31 =	sshll.u32 s1, $0xD;
	s1 =	sshrl.u32 s1, $0x2  }
0xbf: {  	s3 =	sand.u32 $0x4000, s31;
	s1 =	sadd.s32 s1, s30  }
0xc0: {  	s0 =	sor.u32 s3, s0;
	s1 =	sshll.u32 s1, $0x11  }
0xc1: {  	s0 =	sor.u32 s1, s0  }
0xc2: {  	s0 =	sadd.s32 $0x8F2B, s0  }
0xc3: {  	[sflag:s0] =	ssyncadd.remote.s32 $0x1  }
0xc4: {  	_ =	sfence.sel $0xFFFF  }
0xc5: {  	[dreg:$0x0] =	wrdreg $0xFFFFFFFF;
	(pc) =	sbr.abs _section_cstart, $3  }
0xc6: {  	[dreg:$0x1] =	wrdreg $0xFFFFFFFF  }
0xc7: {  	_ =	task.clear_ibuf [dreg:s7], $0x2FFFF;
	_ =	strace $0x9FFFFFFF  }
0xc8: {  	(tm) =	ssettm $0x7FFFFFFF  }
0xc9: {  	_ =	shalt  }
tec
execute0_lowered:
.L_overlay_start_1:
0x0: {  	(tag) =	ssettag $0x1  }
0x1: {  	s2 =	srdreg.scid;
	s1 =	rddreg [dreg:$0x0]  }
0x2: {  	s3 =	rddreg [dreg:$0x1];
	s4 =	sand.u32 $0x1, s2;
	s2 =	simm.s32 $0x0  }
0x3: {  	s12 =	simm.s32 $0x18080;
	[smem:$0x7FF] =	sst s2  }
0x4: {  	s13 =	simm.s32 $0x18100;
	_ =	strace $0x8000004A;
	[dreg:$0xb] =	wrdreg s12  }
0x5: {  	s14 =	simm.s32 $0x8800;
	[dreg:$0xc] =	wrdreg s13  }
0x6: {  	s15 =	simm.s32 $0x9000;
	[dreg:$0xd] =	wrdreg s14  }
0x7: {  	s16 =	simm.s32 $0x9800;
	[dreg:$0xe] =	wrdreg s15  }
0x8: {  	s17 =	simm.s32 $0xA000;
	[dreg:$0xf] =	wrdreg s16  }
0x9: {  	s18 =	simm.s32 $0xA800;
	[dreg:$0x10] =	wrdreg s17  }
0xa: {  	s0 =	stileid.u32;
	s19 =	simm.s32 $0xB000;
	[dreg:$0x11] =	wrdreg s18  }
0xb: {  	s20 =	simm.s32 $0xB800;
	s21 =	simm.s32 $0xC000;
	[dreg:$0x12] =	wrdreg s19  }
0xc: {  	s29 =	simm.s32 $0x3;
	s30 =	simm.s32 $0x10000;
	[dreg:$0x13] =	wrdreg s20  }
0xd: {  	s31 =	simm.s32 $0x5;
	[dreg:$0x14] =	wrdreg s21;
	s12 =	simm.s32 $0x10800  }
0xe: {  	s28 =	simm.s32 $0x7800;
	s13 =	simm.s32 $0x11000;
	[dreg:$0x1c] =	wrdreg s12  }
0xf: {  	s5 =	sshll.u32 s0, $0x8;
	s14 =	simm.s32 $0x11800;
	[dreg:$0x1d] =	wrdreg s13  }
0x10: {  	s9 =	sadd.s32 $0x1E00, s1;
	s15 =	simm.s32 $0x12000;
	[dreg:$0x1e] =	wrdreg s14  }
0x11: {  	s6 =	sshll.u32 s4, $0x7;
	s16 =	simm.s32 $0x12800;
	[dreg:$0x1f] =	wrdreg s15  }
0x12: {  	s4 =	ssub.s32 $0x2, s4;
	s17 =	simm.s32 $0x13000;
	[smem:$0x7F3] =	sst s16  }
0x13: {  	s5 =	sor.u32 s6, s5;
	s18 =	simm.s32 $0x13800;
	[smem:$0x7F4] =	sst s17  }
0x14: {  	s19 =	simm.s32 $0x14000;
	s20 =	simm.s32 $0x14800;
	[smem:$0x7F5] =	sst s18  }
0x15: {  	s21 =	simm.s32 $0x15000;
	s6 =	sshrl.u32 s5, $0x3;
	[smem:$0x7F6] =	sst s19  }
0x16: {  	s7 =	sor.u32 $0x20, s5;
	s23 =	sor.u32 $0x40, s5;
	[smem:$0x7F7] =	sst s20  }
0x17: {  	s10 =	sshll.u32 s5, $0x7;
	s5 =	sor.u32 $0x60, s5;
	[smem:$0x7F8] =	sst s21  }
0x18: {  	s13 =	simm.s32 $0x1800;
	s14 =	simm.s32 $0x2000;
	s15 =	simm.s32 $0x2800  }
0x19: {  	s16 =	simm.s32 $0x3000;
	s17 =	simm.s32 $0x3800;
	s18 =	simm.s32 $0x4000  }
0x1a: {  	s19 =	simm.s32 $0x4800;
	s20 =	simm.s32 $0x5000;
	s6 =	sadd.s32 s3, s6  }
0x1b: {  	s8 =	sshrl.u32 s7, $0x3;
	s25 =	sadd.s32 s9, s10;
	[dreg:$0x3] =	wrdreg s6  }
0x1c: {  	s24 =	sshrl.u32 s23, $0x3;
	s22 =	sadd.s32 s3, s8;
	[dreg:$0x6] =	wrdreg s25  }
0x1d: {  	s26 =	sshrl.u32 s5, $0x3;
	s6 =	sadd.s32 s3, s24;
	[dreg:$0x4] =	wrdreg s22  }
0x1e: {  	s0 =	sshll.u32 s7, $0x7;
	s3 =	sadd.s32 s3, s26;
	[dreg:$0x5] =	wrdreg s6  }
0x1f: {  	s5 =	sshll.u32 s5, $0x7;
	s7 =	sadd.s32 s9, s0;
	[dreg:$0x7] =	wrdreg s3  }
0x20: {  	s21 =	simm.s32 $0x5800;
	s11 =	sadd.s32 s9, s5;
	[dreg:$0x8] =	wrdreg s7  }
0x21: {  	s8 =	sshll.u32 s23, $0x7;
	s23 =	simm.s32 $0xC800;
	[dreg:$0xa] =	wrdreg s11  }
0x22: {  	s25 =	simm.s32 $0xD000;
	s26 =	simm.s32 $0xD800;
	[dreg:$0x15] =	wrdreg s23  }
0x23: {  	s5 =	sadd.s32 $0x102000, s1;
	s0 =	simm.s32 $0xE000;
	[dreg:$0x16] =	wrdreg s25  }
0x24: {  	s10 =	sadd.s32 s9, s8;
	s3 =	sadd.s32 $0x101E00, s1;
	[dreg:$0x17] =	wrdreg s26  }
0x25: {  	s22 =	sshrl.u32 s4, $0x1;
	s6 =	sadd.s32 $0x102100, s1;
	[dreg:$0x18] =	wrdreg s0  }
0x26: {  	s9 =	simm.s32 $0xE800;
	s11 =	simm.s32 $0xF800;
	[dreg:$0x9] =	wrdreg s10  }
0x27: {  	s23 =	simm.s32 $0x16000;
	s25 =	simm.s32 $0x17000;
	[dreg:$0x19] =	wrdreg s9  }
0x28: {  	s26 =	simm.s32 $0x17800;
	s24 =	ssub.s32 s4, s22;
	[dreg:$0x1b] =	wrdreg s11  }
0x29: {  	s4 =	sadd.s32 $0x101F00, s1;
	s10 =	simm.s32 $0xF000;
	[smem:$0x7FA] =	sst s23  }
0x2a: {  	s9 =	simm.s32 $0x1;
	s22 =	simm.s32 $0x15800;
	[smem:$0x7FC] =	sst s25  }
0x2b: {  	[smem:$0x7FD] =	sst s26;
	s25 =	simm.s32 $0x4;
	s26 =	simm.s32 $0x2  }
0x2c: {  	v2 =	vlaneseq.u32;
	s1 =	simm.s32 $0x6;
	s23 =	simm.s32 $0x6800;
	[dreg:$0x1a] =	wrdreg s10  }
0x2d: {  	vm0 =	vmmov $0xffff;
	v1 =	vshrl.u32 v2, $0x3;
	s7 =	smax.u32 s24, $0x1;
	[smem:$0x7F9] =	sst s22;
	s24 =	simm.s32 $0x16800  }
0x2e: {  	v0 =	vand.u32 $0x7, v2;
	v2 =	vor.u32 $0x8, v2;
	v1 =	vmul.u32 $0x8, v1;
	s22 =	simm.s32 $0x6000;
	[smem:$0x7FB] =	sst s24;
	s24 =	simm.s32 $0x7000  }
.LBB2_1:
0x2f: {  	s0 =	rddreg [dreg:$0x3]  }
0x30: {  	s8 =	rddreg [dreg:$0xb]  }
0x31: {  	s12 =	simm.s32 $0x18000;
	s10 =	rddreg [dreg:$0x5]  }
0x32: {  	[tilespmem:s12], [sflag:$0x1] =	stream.linear.gather [hbm4b:s0+s2], $0x20, $0x38;
	[tilespmem:$0x18180] =	vst v63  }
0x33: {  	s0 =	rddreg [dreg:$0x4]  }
0x34: {  	[tilespmem:s8], [sflag:$0x2] =	stream.linear.gather [hbm4b:s0+s2], $0x20, $0x38;
	[tilespmem:$0x18180] =	vst v63  }
0x35: {  	s11 =	rddreg [dreg:$0xc]  }
0x36: {  	[tilespmem:s11], [sflag:$0x3] =	stream.linear.gather [hbm4b:s10+s2], $0x20, $0x38;
	[tilespmem:$0x18180] =	vst v63  }
0x37: {  	_ =	swait.ge [sflag:s9], $0x20  }
0x38: {  	[sflag:s9] =	ssyncset.done $0x0  }
0x39: {  	[sflag:s9] =	ssyncadd.s32 $0xFFFFFFE0  }
0x3a: {  	v3 =	vld [tilespmem:$0x18000];
	_ =	sdelay $0x4  }
0x3b: {  	v4 =	vshll.u32 v3, $0x3  }
0x3c: {  	v3 =	vand.u32 $0x7, v3;
	v4 =	vand.u32 $0xFFFFFFC0, v4  }
0x3d: {  	v3 =	vor.u32 v3, v4  }
0x3e: {  	v4 =	vperm.xlane v3, v0;
	_ =	sdelay $0x1  }
0x3f: {  	v4 =	vadd.s32 v1, v4;
	_ =	sdelay $0x4  }
0x40: {  	[tilespmem:s2], [sflag:$0x1] =	stream.indirect_vreg.gather [hbm4b:s3+s2], $0x80, v4, vm0, $0xb8;
	[tilespmem:$0x18180] =	vst v63  }
0x41: {  	s10 =	simm.s32 $0x800;
	v3 =	vperm.xlane v3, v2  }
0x42: {  	[tilespmem:s10], [sflag:$0x1] =	stream.indirect_vreg.gather [hbm4b:s4+s2], $0x80, v4, vm0, $0xb8;
	[tilespmem:$0x18180] =	vst v63  }
0x43: {  	s11 =	simm.s32 $0x1000;
	v3 =	vadd.s32 v1, v3  }
0x44: {  	[tilespmem:s11], [sflag:$0x1] =	stream.indirect_vreg.gather [hbm4b:s5+s2], $0x80, v4, vm0, $0xb8;
	[tilespmem:$0x18180] =	vst v63  }
0x45: {  	_ = 	snop  }
0x46: {  	[tilespmem:s13], [sflag:$0x1] =	stream.indirect_vreg.gather [hbm4b:s6+s2], $0x80, v4, vm0, $0xb8;
	[tilespmem:$0x18180] =	vst v63  }
0x47: {  	_ = 	snop  }
0x48: {  	[tilespmem:s14], [sflag:$0x1] =	stream.indirect_vreg.gather [hbm4b:s3+s2], $0x80, v3, vm0, $0xb8;
	[tilespmem:$0x18180] =	vst v63  }
0x49: {  	_ = 	snop  }
0x4a: {  	[tilespmem:s15], [sflag:$0x1] =	stream.indirect_vreg.gather [hbm4b:s4+s2], $0x80, v3, vm0, $0xb8;
	[tilespmem:$0x18180] =	vst v63  }
0x4b: {  	_ = 	snop  }
0x4c: {  	[tilespmem:s16], [sflag:$0x1] =	stream.indirect_vreg.gather [hbm4b:s5+s2], $0x80, v3, vm0, $0xb8;
	[tilespmem:$0x18180] =	vst v63  }
0x4d: {  	_ = 	snop  }
0x4e: {  	[tilespmem:s17], [sflag:$0x1] =	stream.indirect_vreg.gather [hbm4b:s6+s2], $0x80, v3, vm0, $0xb8;
	[tilespmem:$0x18180] =	vst v63  }
0x4f: {  	v3 =	vld [tilespmem:$0x18010];
	_ =	sdelay $0x4  }
0x50: {  	v57 =	vshll.u32 v3, $0x3  }
0x51: {  	v3 =	vand.u32 $0x7, v3;
	v4 =	vand.u32 $0xFFFFFFC0, v57  }
0x52: {  	v3 =	vor.u32 v3, v4  }
0x53: {  	v4 =	vperm.xlane v3, v0;
	_ =	sdelay $0x1  }
0x54: {  	v4 =	vadd.s32 v1, v4;
	_ =	sdelay $0x4  }
0x55: {  	[tilespmem:s18], [sflag:$0x1] =	stream.indirect_vreg.gather [hbm4b:s3+s2], $0x80, v4, vm0, $0xb8;
	[tilespmem:$0x18180] =	vst v63  }
0x56: {  	v3 =	vperm.xlane v3, v2  }
0x57: {  	[tilespmem:s19], [sflag:$0x1] =	stream.indirect_vreg.gather [hbm4b:s4+s2], $0x80, v4, vm0, $0xb8;
	[tilespmem:$0x18180] =	vst v63  }
0x58: {  	v3 =	vadd.s32 v1, v3  }
0x59: {  	[tilespmem:s20], [sflag:$0x1] =	stream.indirect_vreg.gather [hbm4b:s5+s2], $0x80, v4, vm0, $0xb8;
	[tilespmem:$0x18180] =	vst v63  }
0x5a: {  	_ = 	snop  }
0x5b: {  	[tilespmem:s21], [sflag:$0x1] =	stream.indirect_vreg.gather [hbm4b:s6+s2], $0x80, v4, vm0, $0xb8;
	[tilespmem:$0x18180] =	vst v63  }
0x5c: {  	_ = 	snop  }
0x5d: {  	[tilespmem:s22], [sflag:$0x1] =	stream.indirect_vreg.gather [hbm4b:s3+s2], $0x80, v3, vm0, $0xb8;
	[tilespmem:$0x18180] =	vst v63  }
0x5e: {  	_ = 	snop  }
0x5f: {  	[tilespmem:s23], [sflag:$0x1] =	stream.indirect_vreg.gather [hbm4b:s4+s2], $0x80, v3, vm0, $0xb8;
	[tilespmem:$0x18180] =	vst v63  }
0x60: {  	_ = 	snop  }
0x61: {  	[tilespmem:s24], [sflag:$0x1] =	stream.indirect_vreg.gather [hbm4b:s5+s2], $0x80, v3, vm0, $0xb8;
	[tilespmem:$0x18180] =	vst v63  }
0x62: {  	_ = 	snop  }
0x63: {  	[tilespmem:s28], [sflag:$0x1] =	stream.indirect_vreg.gather [hbm4b:s6+s2], $0x80, v3, vm0, $0xb8;
	[tilespmem:$0x18180] =	vst v63  }
0x64: {  	_ =	swait.ge [sflag:s9], $0x8000  }
0x65: {  	[sflag:s9] =	ssyncset.done $0x0  }
0x66: {  	s8 =	rddreg [dreg:$0x6];
	[sflag:s9] =	ssyncadd.s32 $0xFFFF8000  }
0x67: {  	[hbm4b:s8+s2] =	stream.linear.scatter [tilespmem:s2], [sflag:$0x4], $0x8000, $0x38;
	[tilespmem:$0x18180] =	vst v63  }
0x68: {  	_ =	swait.ge [sflag:s25], $0x8000  }
0x69: {  	[sflag:s25] =	ssyncset.done $0x0  }
0x6a: {  	s8 =	rddreg [dreg:$0x7];
	[sflag:s25] =	ssyncadd.s32 $0xFFFF8000  }
0x6b: {  	[tilespmem:s12], [sflag:$0x1] =	stream.linear.gather [hbm4b:s8+s2], $0x20, $0x38;
	[tilespmem:$0x18180] =	vst v63  }
0x6c: {  	_ =	swait.ge [sflag:s26], $0x20  }
0x6d: {  	[sflag:s26] =	ssyncset.done $0x0  }
0x6e: {  	[sflag:s26] =	ssyncadd.s32 $0xFFFFFFE0  }
0x6f: {  	v3 =	vld [tilespmem:$0x18080];
	_ =	sdelay $0x4  }
0x70: {  	v58 =	vshll.u32 v3, $0x3  }
0x71: {  	v3 =	vand.u32 $0x7, v3;
	v4 =	vand.u32 $0xFFFFFFC0, v58  }
0x72: {  	v3 =	vor.u32 v3, v4  }
0x73: {  	v4 =	vperm.xlane v3, v0;
	_ =	sdelay $0x1  }
0x74: {  	v4 =	vadd.s32 v1, v4;
	_ =	sdelay $0x3  }
0x75: {  	s12 =	simm.s32 $0x8000  }
0x76: {  	[tilespmem:s12], [sflag:$0x2] =	stream.indirect_vreg.gather [hbm4b:s3+s2], $0x80, v4, vm0, $0xb8;
	[tilespmem:$0x18180] =	vst v63  }
0x77: {  	s0 =	rddreg [dreg:$0xd];
	v3 =	vperm.xlane v3, v2  }
0x78: {  	[tilespmem:s0], [sflag:$0x2] =	stream.indirect_vreg.gather [hbm4b:s4+s2], $0x80, v4, vm0, $0xb8;
	[tilespmem:$0x18180] =	vst v63  }
0x79: {  	s8 =	rddreg [dreg:$0xe];
	v3 =	vadd.s32 v1, v3  }
0x7a: {  	[tilespmem:s8], [sflag:$0x2] =	stream.indirect_vreg.gather [hbm4b:s5+s2], $0x80, v4, vm0, $0xb8;
	[tilespmem:$0x18180] =	vst v63  }
0x7b: {  	s0 =	rddreg [dreg:$0xf]  }
0x7c: {  	[tilespmem:s0], [sflag:$0x2] =	stream.indirect_vreg.gather [hbm4b:s6+s2], $0x80, v4, vm0, $0xb8;
	[tilespmem:$0x18180] =	vst v63  }
0x7d: {  	s8 =	rddreg [dreg:$0x10]  }
0x7e: {  	[tilespmem:s8], [sflag:$0x2] =	stream.indirect_vreg.gather [hbm4b:s3+s2], $0x80, v3, vm0, $0xb8;
	[tilespmem:$0x18180] =	vst v63  }
0x7f: {  	s0 =	rddreg [dreg:$0x11]  }
0x80: {  	[tilespmem:s0], [sflag:$0x2] =	stream.indirect_vreg.gather [hbm4b:s4+s2], $0x80, v3, vm0, $0xb8;
	[tilespmem:$0x18180] =	vst v63  }
0x81: {  	s8 =	rddreg [dreg:$0x12]  }
0x82: {  	[tilespmem:s8], [sflag:$0x2] =	stream.indirect_vreg.gather [hbm4b:s5+s2], $0x80, v3, vm0, $0xb8;
	[tilespmem:$0x18180] =	vst v63  }
0x83: {  	s0 =	rddreg [dreg:$0x13]  }
0x84: {  	[tilespmem:s0], [sflag:$0x2] =	stream.indirect_vreg.gather [hbm4b:s6+s2], $0x80, v3, vm0, $0xb8;
	[tilespmem:$0x18180] =	vst v63  }
0x85: {  	v3 =	vld [tilespmem:$0x18090];
	_ =	sdelay $0x4  }
0x86: {  	v59 =	vshll.u32 v3, $0x3  }
0x87: {  	v3 =	vand.u32 $0x7, v3;
	v4 =	vand.u32 $0xFFFFFFC0, v59  }
0x88: {  	v3 =	vor.u32 v3, v4  }
0x89: {  	v4 =	vperm.xlane v3, v0;
	_ =	sdelay $0x1  }
0x8a: {  	v4 =	vadd.s32 v1, v4;
	_ =	sdelay $0x3  }
0x8b: {  	s0 =	rddreg [dreg:$0x14]  }
0x8c: {  	[tilespmem:s0], [sflag:$0x2] =	stream.indirect_vreg.gather [hbm4b:s3+s2], $0x80, v4, vm0, $0xb8;
	[tilespmem:$0x18180] =	vst v63  }
0x8d: {  	s8 =	rddreg [dreg:$0x15];
	v3 =	vperm.xlane v3, v2  }
0x8e: {  	[tilespmem:s8], [sflag:$0x2] =	stream.indirect_vreg.gather [hbm4b:s4+s2], $0x80, v4, vm0, $0xb8;
	[tilespmem:$0x18180] =	vst v63  }
0x8f: {  	v3 =	vadd.s32 v1, v3;
	s0 =	rddreg [dreg:$0x16]  }
0x90: {  	[tilespmem:s0], [sflag:$0x2] =	stream.indirect_vreg.gather [hbm4b:s5+s2], $0x80, v4, vm0, $0xb8;
	[tilespmem:$0x18180] =	vst v63  }
0x91: {  	s8 =	rddreg [dreg:$0x17]  }
0x92: {  	[tilespmem:s8], [sflag:$0x2] =	stream.indirect_vreg.gather [hbm4b:s6+s2], $0x80, v4, vm0, $0xb8;
	[tilespmem:$0x18180] =	vst v63  }
0x93: {  	s0 =	rddreg [dreg:$0x18]  }
0x94: {  	[tilespmem:s0], [sflag:$0x2] =	stream.indirect_vreg.gather [hbm4b:s3+s2], $0x80, v3, vm0, $0xb8;
	[tilespmem:$0x18180] =	vst v63  }
0x95: {  	s8 =	rddreg [dreg:$0x19]  }
0x96: {  	[tilespmem:s8], [sflag:$0x2] =	stream.indirect_vreg.gather [hbm4b:s4+s2], $0x80, v3, vm0, $0xb8;
	[tilespmem:$0x18180] =	vst v63  }
0x97: {  	s0 =	rddreg [dreg:$0x1a]  }
0x98: {  	[tilespmem:s0], [sflag:$0x2] =	stream.indirect_vreg.gather [hbm4b:s5+s2], $0x80, v3, vm0, $0xb8;
	[tilespmem:$0x18180] =	vst v63  }
0x99: {  	s8 =	rddreg [dreg:$0x1b]  }
0x9a: {  	[tilespmem:s8], [sflag:$0x2] =	stream.indirect_vreg.gather [hbm4b:s6+s2], $0x80, v3, vm0, $0xb8;
	[tilespmem:$0x18180] =	vst v63  }
0x9b: {  	_ =	swait.ge [sflag:s26], $0x8000  }
0x9c: {  	[sflag:s26] =	ssyncset.done $0x0  }
0x9d: {  	s8 =	rddreg [dreg:$0x8];
	[sflag:s26] =	ssyncadd.s32 $0xFFFF8000  }
0x9e: {  	[hbm4b:s8+s2] =	stream.linear.scatter [tilespmem:s12], [sflag:$0x5], $0x8000, $0x38;
	[tilespmem:$0x18180] =	vst v63  }
0x9f: {  	_ =	swait.ge [sflag:s29], $0x20  }
0xa0: {  	[sflag:s29] =	ssyncset.done $0x0  }
0xa1: {  	[sflag:s29] =	ssyncadd.s32 $0xFFFFFFE0  }
0xa2: {  	v3 =	vld [tilespmem:$0x18100];
	_ =	sdelay $0x4  }
0xa3: {  	v60 =	vshll.u32 v3, $0x3  }
0xa4: {  	v3 =	vand.u32 $0x7, v3;
	v4 =	vand.u32 $0xFFFFFFC0, v60  }
0xa5: {  	v3 =	vor.u32 v3, v4  }
0xa6: {  	v4 =	vperm.xlane v3, v0;
	_ =	sdelay $0x1  }
0xa7: {  	v4 =	vadd.s32 v1, v4;
	_ =	sdelay $0x3  }
0xa8: {  	s12 =	rddreg [dreg:$0x1c]  }
0xa9: {  	[tilespmem:s30], [sflag:$0x3] =	stream.indirect_vreg.gather [hbm4b:s3+s2], $0x80, v4, vm0, $0xb8;
	[tilespmem:$0x18180] =	vst v63  }
0xaa: {  	s8 =	rddreg [dreg:$0x1d];
	v3 =	vperm.xlane v3, v2  }
0xab: {  	[tilespmem:s12], [sflag:$0x3] =	stream.indirect_vreg.gather [hbm4b:s4+s2], $0x80, v4, vm0, $0xb8;
	[tilespmem:$0x18180] =	vst v63  }
0xac: {  	v3 =	vadd.s32 v1, v3;
	s12 =	rddreg [dreg:$0x1e]  }
0xad: {  	[tilespmem:s8], [sflag:$0x3] =	stream.indirect_vreg.gather [hbm4b:s5+s2], $0x80, v4, vm0, $0xb8;
	[tilespmem:$0x18180] =	vst v63  }
0xae: {  	s8 =	rddreg [dreg:$0x1f]  }
0xaf: {  	[tilespmem:s12], [sflag:$0x3] =	stream.indirect_vreg.gather [hbm4b:s6+s2], $0x80, v4, vm0, $0xb8;
	[tilespmem:$0x18180] =	vst v63  }
0xb0: {  	s12 =	sld [smem:$0x7F3]  }
0xb1: {  	[tilespmem:s8], [sflag:$0x3] =	stream.indirect_vreg.gather [hbm4b:s3+s2], $0x80, v3, vm0, $0xb8;
	[tilespmem:$0x18180] =	vst v63  }
0xb2: {  	s8 =	sld [smem:$0x7F4]  }
0xb3: {  	[tilespmem:s12], [sflag:$0x3] =	stream.indirect_vreg.gather [hbm4b:s4+s2], $0x80, v3, vm0, $0xb8;
	[tilespmem:$0x18180] =	vst v63  }
0xb4: {  	s12 =	sld [smem:$0x7F5]  }
0xb5: {  	[tilespmem:s8], [sflag:$0x3] =	stream.indirect_vreg.gather [hbm4b:s5+s2], $0x80, v3, vm0, $0xb8;
	[tilespmem:$0x18180] =	vst v63  }
0xb6: {  	_ = 	snop  }
0xb7: {  	[tilespmem:s12], [sflag:$0x3] =	stream.indirect_vreg.gather [hbm4b:s6+s2], $0x80, v3, vm0, $0xb8;
	[tilespmem:$0x18180] =	vst v63  }
0xb8: {  	v3 =	vld [tilespmem:$0x18110];
	_ =	sdelay $0x4  }
0xb9: {  	v61 =	vshll.u32 v3, $0x3  }
0xba: {  	v3 =	vand.u32 $0x7, v3;
	v4 =	vand.u32 $0xFFFFFFC0, v61  }
0xbb: {  	v3 =	vor.u32 v3, v4  }
0xbc: {  	v4 =	vperm.xlane v3, v0;
	_ =	sdelay $0x1  }
0xbd: {  	v4 =	vadd.s32 v1, v4;
	_ =	sdelay $0x1  }
0xbe: {  	s8 =	sld [smem:$0x7F6];
	_ =	sdelay $0x1  }
0xbf: {  	s12 =	sld [smem:$0x7F7]  }
0xc0: {  	[tilespmem:s8], [sflag:$0x3] =	stream.indirect_vreg.gather [hbm4b:s3+s2], $0x80, v4, vm0, $0xb8;
	[tilespmem:$0x18180] =	vst v63  }
0xc1: {  	s0 =	sld [smem:$0x7F8];
	v3 =	vperm.xlane v3, v2  }
0xc2: {  	[tilespmem:s12], [sflag:$0x3] =	stream.indirect_vreg.gather [hbm4b:s4+s2], $0x80, v4, vm0, $0xb8;
	[tilespmem:$0x18180] =	vst v63  }
0xc3: {  	v3 =	vadd.s32 v1, v3;
	s12 =	sld [smem:$0x7F9]  }
0xc4: {  	[tilespmem:s0], [sflag:$0x3] =	stream.indirect_vreg.gather [hbm4b:s5+s2], $0x80, v4, vm0, $0xb8;
	[tilespmem:$0x18180] =	vst v63  }
0xc5: {  	s0 =	sld [smem:$0x7FA]  }
0xc6: {  	[tilespmem:s12], [sflag:$0x3] =	stream.indirect_vreg.gather [hbm4b:s6+s2], $0x80, v4, vm0, $0xb8;
	[tilespmem:$0x18180] =	vst v63  }
0xc7: {  	s12 =	sld [smem:$0x7FB]  }
0xc8: {  	[tilespmem:s0], [sflag:$0x3] =	stream.indirect_vreg.gather [hbm4b:s3+s2], $0x80, v3, vm0, $0xb8;
	[tilespmem:$0x18180] =	vst v63  }
0xc9: {  	s0 =	sld [smem:$0x7FC]  }
0xca: {  	[tilespmem:s12], [sflag:$0x3] =	stream.indirect_vreg.gather [hbm4b:s4+s2], $0x80, v3, vm0, $0xb8;
	[tilespmem:$0x18180] =	vst v63  }
0xcb: {  	s12 =	sld [smem:$0x7FD]  }
0xcc: {  	[tilespmem:s0], [sflag:$0x3] =	stream.indirect_vreg.gather [hbm4b:s5+s2], $0x80, v3, vm0, $0xb8;
	[tilespmem:$0x18180] =	vst v63  }
0xcd: {  	_ = 	snop  }
0xce: {  	[tilespmem:s12], [sflag:$0x3] =	stream.indirect_vreg.gather [hbm4b:s6+s2], $0x80, v3, vm0, $0xb8;
	[tilespmem:$0x18180] =	vst v63  }
0xcf: {  	_ =	swait.ge [sflag:s29], $0x8000  }
0xd0: {  	[sflag:s29] =	ssyncset.done $0x0  }
0xd1: {  	s8 =	rddreg [dreg:$0x9];
	[sflag:s29] =	ssyncadd.s32 $0xFFFF8000  }
0xd2: {  	[hbm4b:s8+s2] =	stream.linear.scatter [tilespmem:s30], [sflag:$0x6], $0x8000, $0x38;
	[tilespmem:$0x18180] =	vst v63  }
0xd3: {  	_ =	swait.ge [sflag:s9], $0x20  }
0xd4: {  	[sflag:s9] =	ssyncset.done $0x0  }
0xd5: {  	[sflag:s9] =	ssyncadd.s32 $0xFFFFFFE0  }
0xd6: {  	v3 =	vld [tilespmem:$0x18000];
	_ =	sdelay $0x4  }
0xd7: {  	v62 =	vshll.u32 v3, $0x3  }
0xd8: {  	v3 =	vand.u32 $0x7, v3;
	v4 =	vand.u32 $0xFFFFFFC0, v62  }
0xd9: {  	v3 =	vor.u32 v3, v4  }
0xda: {  	v4 =	vperm.xlane v3, v0;
	_ =	sdelay $0x1  }
0xdb: {  	v4 =	vadd.s32 v1, v4;
	_ =	sdelay $0x4  }
0xdc: {  	[tilespmem:s2], [sflag:$0x1] =	stream.indirect_vreg.gather [hbm4b:s3+s2], $0x80, v4, vm0, $0xb8;
	[tilespmem:$0x18180] =	vst v63  }
0xdd: {  	v3 =	vperm.xlane v3, v2  }
0xde: {  	[tilespmem:s10], [sflag:$0x1] =	stream.indirect_vreg.gather [hbm4b:s4+s2], $0x80, v4, vm0, $0xb8;
	[tilespmem:$0x18180] =	vst v63  }
0xdf: {  	v3 =	vadd.s32 v1, v3  }
0xe0: {  	[tilespmem:s11], [sflag:$0x1] =	stream.indirect_vreg.gather [hbm4b:s5+s2], $0x80, v4, vm0, $0xb8;
	[tilespmem:$0x18180] =	vst v63  }
0xe1: {  	_ = 	snop  }
0xe2: {  	[tilespmem:s13], [sflag:$0x1] =	stream.indirect_vreg.gather [hbm4b:s6+s2], $0x80, v4, vm0, $0xb8;
	[tilespmem:$0x18180] =	vst v63  }
0xe3: {  	_ = 	snop  }
0xe4: {  	[tilespmem:s14], [sflag:$0x1] =	stream.indirect_vreg.gather [hbm4b:s3+s2], $0x80, v3, vm0, $0xb8;
	[tilespmem:$0x18180] =	vst v63  }
0xe5: {  	_ = 	snop  }
0xe6: {  	[tilespmem:s15], [sflag:$0x1] =	stream.indirect_vreg.gather [hbm4b:s4+s2], $0x80, v3, vm0, $0xb8;
	[tilespmem:$0x18180] =	vst v63  }
0xe7: {  	_ = 	snop  }
0xe8: {  	[tilespmem:s16], [sflag:$0x1] =	stream.indirect_vreg.gather [hbm4b:s5+s2], $0x80, v3, vm0, $0xb8;
	[tilespmem:$0x18180] =	vst v63  }
0xe9: {  	_ = 	snop  }
0xea: {  	[tilespmem:s17], [sflag:$0x1] =	stream.indirect_vreg.gather [hbm4b:s6+s2], $0x80, v3, vm0, $0xb8;
	[tilespmem:$0x18180] =	vst v63  }
0xeb: {  	v3 =	vld [tilespmem:$0x18010];
	_ =	sdelay $0x4  }
0xec: {  	v63 =	vshll.u32 v3, $0x3  }
0xed: {  	v3 =	vand.u32 $0x7, v3;
	v4 =	vand.u32 $0xFFFFFFC0, v63  }
0xee: {  	v3 =	vor.u32 v3, v4  }
0xef: {  	v4 =	vperm.xlane v3, v0;
	_ =	sdelay $0x1  }
0xf0: {  	v4 =	vadd.s32 v1, v4;
	_ =	sdelay $0x4  }
0xf1: {  	[tilespmem:s18], [sflag:$0x1] =	stream.indirect_vreg.gather [hbm4b:s3+s2], $0x80, v4, vm0, $0xb8;
	[tilespmem:$0x18180] =	vst v63  }
0xf2: {  	v3 =	vperm.xlane v3, v2  }
0xf3: {  	[tilespmem:s19], [sflag:$0x1] =	stream.indirect_vreg.gather [hbm4b:s4+s2], $0x80, v4, vm0, $0xb8;
	[tilespmem:$0x18180] =	vst v63  }
0xf4: {  	v3 =	vadd.s32 v1, v3  }
0xf5: {  	[tilespmem:s20], [sflag:$0x1] =	stream.indirect_vreg.gather [hbm4b:s5+s2], $0x80, v4, vm0, $0xb8;
	[tilespmem:$0x18180] =	vst v63  }
0xf6: {  	_ = 	snop  }
0xf7: {  	[tilespmem:s21], [sflag:$0x1] =	stream.indirect_vreg.gather [hbm4b:s6+s2], $0x80, v4, vm0, $0xb8;
	[tilespmem:$0x18180] =	vst v63  }
0xf8: {  	_ = 	snop  }
0xf9: {  	[tilespmem:s22], [sflag:$0x1] =	stream.indirect_vreg.gather [hbm4b:s3+s2], $0x80, v3, vm0, $0xb8;
	[tilespmem:$0x18180] =	vst v63  }
0xfa: {  	_ = 	snop  }
0xfb: {  	[tilespmem:s23], [sflag:$0x1] =	stream.indirect_vreg.gather [hbm4b:s4+s2], $0x80, v3, vm0, $0xb8;
	[tilespmem:$0x18180] =	vst v63  }
0xfc: {  	_ = 	snop  }
0xfd: {  	[tilespmem:s24], [sflag:$0x1] =	stream.indirect_vreg.gather [hbm4b:s5+s2], $0x80, v3, vm0, $0xb8;
	[tilespmem:$0x18180] =	vst v63  }
0xfe: {  	_ = 	snop  }
0xff: {  	[tilespmem:s28], [sflag:$0x1] =	stream.indirect_vreg.gather [hbm4b:s6+s2], $0x80, v3, vm0, $0xb8;
	[tilespmem:$0x18180] =	vst v63  }
0x100: {  	_ =	swait.ge [sflag:s9], $0x8000  }
0x101: {  	[sflag:s9] =	ssyncset.done $0x0  }
0x102: {  	s12 =	rddreg [dreg:$0xa];
	[sflag:s9] =	ssyncadd.s32 $0xFFFF8000  }
0x103: {  	[hbm4b:s12+s2] =	stream.linear.scatter [tilespmem:s2], [sflag:$0x4], $0x8000, $0x38;
	[tilespmem:$0x18180] =	vst v63  }
0x104: {  	_ =	swait.ge [sflag:s31], $0x8000  }
0x105: {  	[sflag:s31] =	ssyncset.done $0x0  }
0x106: {  	[sflag:s31] =	ssyncadd.s32 $0xFFFF8000  }
0x107: {  	p0 =	sne.s32 s7, $0x1;
	_ =	swait.ge [sflag:s1], $0x8000  }
.Ltmp0:
0x108: {  	[sflag:s1] =	ssyncset.done $0x0;
	(pc) =	sbr.rel @p0 .LBB2_1-.Ltmp0, $4  }
0x109: {  	[sflag:s1] =	ssyncadd.s32 $0xFFFF8000  }
0x10a: {  	_ =	swait.ge [sflag:s25], $0x8000  }
0x10b: {  	[sflag:s25] =	ssyncset.done $0x0  }
0x10c: {  	s7 =	sadd.s32 $0xFFFFFFFF, s7;
	[sflag:s25] =	ssyncadd.s32 $0xFFFF8000  }
0x10d: {  	_ =	sfence.sel $0x180000  }
0x10e: {  	[bflag:$0x0] =	sbarrier.arrive $0xFFFF  }
0x10f: {  	_ =	strace $0x9000004A  }
0x110: {  	s0 =	stileid.u32;
	[bflag:$0x2] =	sbarrier.arrive $0xFFFF  }
0x111: {  	p0 =	sne.s32 s0, $0x0;
	s0 =	rddreg [dreg:$0x2]  }
0x112: {  	s0 =	sadd.s32 @!p0 $0x100000, s0  }
0x113: {  	[sflag:s0] =	ssyncadd.tile.s32 @!p0 $0x1;
	_ =	shalt  }
.Lfunc_end2:
_tile_overlayer_lowered:
.L_overlay_start_2:
0x114: {  	(tag) =	ssettag $0x2  }
0x115: {  	s0 =	rddreg [dreg:$0x0];
	s2 =	stileid.u32  }
0x116: {  	s1 =	rddreg [dreg:$0x1];
	p0 =	sne.s32 s2, $0x0  }
0x117: {  	s3 =	rddreg [dreg:$0x2];
	[bflag:$0x3] =	sbarrier.arrive $0xFFFF;
	s2 =	simm.s32 @!p0 $0x1C07  }
0x118: {  	[timem:s3], [sflag:s2] =	dma.local @!p0 [hbm:s0], s1  }
0x119: {  	s0 =	simm.s32 @!p0 $0x7  }
0x11a: {  	_ =	swait.ge @!p0 [sflag:s0], s1  }
0x11b: {  	s1 =	ssub.s32 @!p0 $0x0, s1;
	[sflag:s0] =	ssyncset.done @!p0 $0x0  }
0x11c: {  	[sflag:s0] =	ssyncadd.s32 @!p0 s1  }
0x11d: {  	[bflag:$0x3] =	sbarrier.arrive $0xFFFF  }
0x11e: {  	_ =	shalt  }

// kernel: kernel.8.cloned.1.call-start
scs
__scs_entry_jumppad:
0x0: {  	(pc) =	sbr.rel $0x88, $3  }
0x1: {  	(tag) =	ssettag $0x0;
	lr =	simm.s32 $0x1  }
0x2: {  	[smem:$0x3F98] =	sst lr;
	_ =	strace $0xD0000000  }
0x3: {  	_ = 	snop  }
0x4: {  	_ = 	snop  }
0x5: {  	_ = 	snop  }
0x6: {  	_ = 	snop  }
0x7: {  	_ = 	snop  }
__scs_overlays_trampoline_lowered:
0x8: {  	[smem:$0x3FA7] =	sst s0  }
0x9: {  	[smem:$0x3FA8] =	sst s1  }
0xa: {  	[smem:$0x3FA9] =	sst s2  }
0xb: {  	[smem:$0x3FAA] =	sst s3  }
0xc: {  	[smem:$0x3FAB] =	sst s4  }
0xd: {  	[smem:$0x3FAC] =	sst s5  }
0xe: {  	[smem:$0x3FAD] =	sst s6  }
0xf: {  	[smem:$0x3FAE] =	sst s7  }
0x10: {  	[smem:$0x3FAF] =	sst s8  }
0x11: {  	[smem:$0x3FB0] =	sst s9;
	s0 =	simm.s32 @!p0 $0x0  }
0x12: {  	s1 =	sld [smem:$0x3F96];
	s0 =	simm.s32 @p0 $0x1  }
0x13: {  	[smem:$0x3FB1] =	sst s0;
	s0 =	simm.s32 @!p1 $0x0  }
0x14: {  	s2 =	sld [smem:$0x3F95];
	s0 =	simm.s32 @p1 $0x1  }
0x15: {  	[smem:$0x3FB2] =	sst s0;
	s0 =	simm.s32 @!p2 $0x0  }
0x16: {  	s3 =	sld [smem:$0x3FDB];
	s0 =	simm.s32 @p2 $0x1  }
0x17: {  	s4 =	simm.s32 $0x1BF5;
	[smem:$0x3FB4] =	sst s0  }
0x18: {  	s0 =	sld [smem:$0x3F97];
	_ =	swait.ge [sflag:s4], $0x0  }
0x19: {  	s7 =	sld [smem:$0x3F98]  }
0x1a: {  	s8 =	sadd.s32 $0xFFFFE003, lr  }
0x1b: {  	s9 =	sadd.s32 $0xFFFFFEF7, lr;
	s5 =	simm.s32 $0xFFFFFFFF;
	p2 =	slt.u32 s8, $0xFFFFF086  }
0x1c: {  	p1 =	slt.u32 s9, $0xF7A;
	s5 =	simm.s32 @!p2 $0x0  }
0x1d: {  	s5 =	simm.s32 @p1 $0x1;
	p0 =	seq.s32 s7, s2  }
0x1e: {  	s7 =	smul.u32 @!p0 $0xF7A, s2;
	p2 =	seq.s32 @!p0 s5, $0x0  }
0x1f: {  	s9 =	smul.u32 $0xF7A, s1;
	s8 =	simm.s32 @!p0 $0x1BF5;
	p2 =	por !p2, p0  }
0x20: {  	[sflag:s8] =	ssyncset.s32 @!p0 $0xFFFFF086;
	s6 =	sadd.s32 @!p0 s3, s7;
	s7 =	simm.s32 @!p0 $0x108  }
0x21: {  	s3 =	sadd.s32 s3, s9;
	s6 =	sadd.s32 @!p0 $0x88, s6;
	s7 =	simm.s32 @p2 $0x1082  }
0x22: {  	[simem:s7], [sflag:s8] =	dma.local @!p0 [hbm:s6], $0xF7A  }
0x23: {  	s9 =	sor.u32 $0xD0000000, s2;
	s6 =	simm.s32 $0x108;
	_ =	swait.ge @!p0 [sflag:s8], $0x0  }
0x24: {  	s3 =	sadd.s32 $0x88, s3;
	s6 =	simm.s32 @!p1 $0x1082;
	[sflag:s4] =	ssyncset.s32 $0xFFFFF086  }
0x25: {  	[simem:s6], [sflag:s4] =	dma.local [hbm:s3], $0xF7A  }
0x26: {  	[smem:$0x3F98] =	sst s1;
	(tag) =	ssettag s2;
	_ =	strace s9  }
0x27: {  	s1 =	sld [smem:$0x3FA8]  }
0x28: {  	s2 =	sld [smem:$0x3FA9]  }
0x29: {  	s4 =	sld [smem:$0x3FAB]  }
0x2a: {  	p0 =	seq.s32 s5, $0x0;
	s5 =	sld [smem:$0x3FAC]  }
0x2b: {  	s6 =	sld [smem:$0x3FAD]  }
0x2c: {  	s7 =	sld [smem:$0x3FAE]  }
0x2d: {  	s3 =	simm.s32 $0x108;
	s8 =	sld [smem:$0x3FAF]  }
0x2e: {  	s3 =	simm.s32 @!p0 $0x1082;
	s9 =	sld [smem:$0x3FB0]  }
0x2f: {  	lr =	sadd.s32 s0, s3;
	s0 =	sld [smem:$0x3FA7]  }
0x30: {  	s3 =	sld [smem:$0x3FAA]  }
0x31: {  	[smem:$0x3FB3] =	sst s10  }
0x32: {  	s10 =	sld [smem:$0x3FB1];
	_ =	sdelay $0x3  }
0x33: {  	p0 =	seq.s32 s10, $0x1;
	s10 =	sld [smem:$0x3FB3];
	_ =	sdelay $0x3  }
0x34: {  	[smem:$0x3FB3] =	sst s10  }
0x35: {  	s10 =	sld [smem:$0x3FB2];
	_ =	sdelay $0x3  }
0x36: {  	p1 =	seq.s32 s10, $0x1;
	s10 =	sld [smem:$0x3FB3];
	_ =	sdelay $0x3  }
0x37: {  	[smem:$0x3FB3] =	sst s10  }
0x38: {  	s10 =	sld [smem:$0x3FB4]  }
0x39: {  	_ = 	snop;
	(pc) =	sbr.ind lr, $3  }
0x3a: {  	_ = 	snop  }
0x3b: {  	_ = 	snop  }
0x3c: {  	p2 =	seq.s32 s10, $0x1;
	s10 =	sld [smem:$0x3FB3]  }
0x3d: {  	_ =	shalt  }
0x3e: {  	_ =	shalt  }
0x3f: {  	_ =	shalt  }
0x40: {  	_ =	shalt  }
0x41: {  	_ =	shalt  }
0x42: {  	_ =	shalt  }
0x43: {  	_ =	shalt  }
0x44: {  	_ =	shalt  }
0x45: {  	_ =	shalt  }
0x46: {  	_ =	shalt  }
0x47: {  	_ =	shalt  }
0x48: {  	_ =	shalt  }
0x49: {  	_ =	shalt  }
0x4a: {  	_ =	shalt  }
0x4b: {  	_ =	shalt  }
0x4c: {  	_ =	shalt  }
0x4d: {  	_ =	shalt  }
0x4e: {  	_ =	shalt  }
0x4f: {  	_ =	shalt  }
0x50: {  	_ =	shalt  }
0x51: {  	_ =	shalt  }
0x52: {  	_ =	shalt  }
0x53: {  	_ =	shalt  }
0x54: {  	_ =	shalt  }
0x55: {  	_ =	shalt  }
0x56: {  	_ =	shalt  }
0x57: {  	_ =	shalt  }
0x58: {  	_ =	shalt  }
0x59: {  	_ =	shalt  }
0x5a: {  	_ =	shalt  }
0x5b: {  	_ =	shalt  }
0x5c: {  	_ =	shalt  }
0x5d: {  	_ =	shalt  }
0x5e: {  	_ =	shalt  }
0x5f: {  	_ =	shalt  }
0x60: {  	_ =	shalt  }
0x61: {  	_ =	shalt  }
0x62: {  	_ =	shalt  }
0x63: {  	_ =	shalt  }
0x64: {  	_ =	shalt  }
0x65: {  	_ =	shalt  }
0x66: {  	_ =	shalt  }
0x67: {  	_ =	shalt  }
0x68: {  	_ =	shalt  }
0x69: {  	_ =	shalt  }
0x6a: {  	_ =	shalt  }
0x6b: {  	_ =	shalt  }
0x6c: {  	_ =	shalt  }
0x6d: {  	_ =	shalt  }
0x6e: {  	_ =	shalt  }
0x6f: {  	_ =	shalt  }
0x70: {  	_ =	shalt  }
0x71: {  	_ =	shalt  }
0x72: {  	_ =	shalt  }
0x73: {  	_ =	shalt  }
0x74: {  	_ =	shalt  }
0x75: {  	_ =	shalt  }
0x76: {  	_ =	shalt  }
0x77: {  	_ =	shalt  }
0x78: {  	_ =	shalt  }
0x79: {  	_ =	shalt  }
0x7a: {  	_ =	shalt  }
0x7b: {  	_ =	shalt  }
0x7c: {  	_ =	shalt  }
0x7d: {  	_ =	shalt  }
0x7e: {  	_ =	shalt  }
0x7f: {  	_ =	shalt  }
0x80: {  	_ =	shalt  }
0x81: {  	_ =	shalt  }
0x82: {  	_ =	shalt  }
0x83: {  	_ =	shalt  }
0x84: {  	_ =	shalt  }
0x85: {  	_ =	shalt  }
0x86: {  	_ =	shalt  }
0x87: {  	_ =	shalt  }
.Lfunc_end0:
.L_simem_size_0:
called_computation_lowered:
.L_overlay_start_0:
0x88: {  	s2 =	sld [smem:$0x3FD9]  }
0x89: {  	s3 =	sld [smem:$0x3FFE];
	_ =	sdelay $0x1  }
0x8a: {  	s1 =	srdreg.scid  }
0x8b: {  	s0 =	sand.u32 $0x1, s1  }
0x8c: {  	s14 =	sshll.u32 s0, $0xA;
	s2 =	sadd.s32 s3, s2  }
0x8d: {  	s2 =	sadd.s32 s2, s14  }
0x8e: {  	[smem:$0x3FBF] =	sst s2  }
0x8f: {  	_ = 	snop  }
0x90: {  	s2 =	sld [smem:$0x3FD0];
	_ =	sdelay $0x2  }
0x91: {  	s4 =	simm.s32 $0xA;
	s5 =	simm.s32 $0x10;
	s15 =	sld [smem:$0x3FC9]  }
0x92: {  	[smem:s5], [sflag:s4] =	dma.local [hbm:s2], $0x1  }
0x93: {  	_ =	swait.eq [sflag:s4], $0x1  }
0x94: {  	[sflag:s4] =	ssyncset.done $0x0  }
0x95: {  	[sflag:s4] =	ssyncadd.s32 $0xFFFFFFFF  }
0x96: {  	s16 =	sld [smem:$0x10];
	(tm) =	ssettm $0x1  }
0x97: {  	s17 =	sld [smem:$0x3FFB];
	_ =	sdelay $0x3  }
0x98: {  	_ =	strace s17  }
0x99: {  	s4 =	sld [smem:$0x3FFC];
	_ =	sdelay $0x3  }
0x9a: {  	_ =	strace s4  }
0x9b: {  	s4 =	sld [smem:$0x3FFD];
	_ =	sdelay $0x3  }
0x9c: {  	_ =	strace s4  }
0x9d: {  	_ =	strace $0x8FFFFFFF  }
0x9e: {  	s18 =	sld [smem:$0x3FDB];
	_ =	sdelay $0x1  }
0x9f: {  	s19 =	simm.s32 $_scs_section_size  }
0xa0: {  	s6 =	simm.s32 $_size__tile_overlayer_lowered;
	s7 =	simm.s32 $_tile_overlayer_lowered  }
0xa1: {  	s22 =	simm.s32 $0x1BFF;
	s21 =	sshll.u32 s7, $0x1;
	s4 =	sadd.s32 s19, s18  }
0xa2: {  	s8 =	simm.s32 $0x0;
	s20 =	sshll.u32 s6, $0x1;
	s6 =	sadd.s32 s21, s4  }
0xa3: {  	[timem:s8], [sflag:s22] =	dma.local [hbm:s6], s20  }
0xa4: {  	_ =	swait.ge [sflag:s22], s20  }
0xa5: {  	s5 =	ssub.s32 $0x0, s20;
	[sflag:s22] =	ssyncset.done $0x0  }
0xa6: {  	[sflag:s22] =	ssyncadd.s32 s5;
	_ =	sdelay $0x1  }
0xa7: {  	s23 =	simm.s32 $0x1B8B  }
0xa8: {  	_ =	swait.ge [sflag:s23], $0x1  }
0xa9: {  	[sflag:s23] =	ssyncset.done $0x0  }
0xaa: {  	s25 =	simm.s32 $0x1B8E;
	s24 =	sld [smem:$0x3FFE];
	[sflag:s23] =	ssyncadd.s32 $0xFFFFFFFF  }
0xab: {  	s26 =	simm.s32 $execute0_lowered;
	[smem:$0x3FD2] =	sst s25  }
0xac: {  	s6 =	sshll.u32 s26, $0x1;
	_ =	strace $0x80000046;
	[dreg:$0x1] =	wrdreg $0xFFFFFFFF  }
0xad: {  	s28 =	simm.s32 $_size_execute0_lowered;
	s4 =	sadd.s32 s4, s6;
	[dreg:$0x0] =	wrdreg $0x0  }
0xae: {  	s6 =	sshll.u32 s28, $0x1;
	[dreg:$0x2] =	wrdreg s4  }
0xaf: {  	[dreg:$0x3] =	wrdreg s6  }
0xb0: {  	[dreg:$0x4] =	wrdreg $0xC0  }
0xb1: {  	_ =	task [dreg:s8], $0x5FFFF  }
0xb2: {  	[dreg:$0x1] =	wrdreg $0xFFFFFFFF  }
0xb3: {  	[dreg:$0x0] =	wrdreg $0x60  }
0xb4: {  	[dreg:$0x2] =	wrdreg s15  }
0xb5: {  	[dreg:$0x3] =	wrdreg s16  }
0xb6: {  	[dreg:$0x4] =	wrdreg s24  }
0xb7: {  	[dreg:$0x5] =	wrdreg $0x9  }
0xb8: {  	_ =	task.clear_ibuf [dreg:s8], $0x6FFFF;
	_ =	strace $0x90000046  }
0xb9: {  	s29 =	simm.s32 $0x9;
	_ =	strace $0x80000048  }
0xba: {  	_ =	swait.ge [sflag:s29], $0x1  }
0xbb: {  	[sflag:s29] =	ssyncadd.s32 $0xFFFFFFFF  }
0xbc: {  	_ =	strace $0x90000048  }
0xbd: {  	_ =	sfence  }
0xbe: {  	s30 =	sld [smem:$0x0];
	_ =	sdelay $0x2  }
0xbf: {  	s31 =	sshll.u32 s1, $0xD;
	s1 =	sshrl.u32 s1, $0x2  }
0xc0: {  	s3 =	sand.u32 $0x4000, s31;
	s1 =	sadd.s32 s1, s30  }
0xc1: {  	s0 =	sor.u32 s3, s0;
	s1 =	sshll.u32 s1, $0x11  }
0xc2: {  	s0 =	sor.u32 s1, s0  }
0xc3: {  	s0 =	sadd.s32 $0x8F2B, s0  }
0xc4: {  	[sflag:s0] =	ssyncadd.remote.s32 $0x1  }
0xc5: {  	_ =	sfence.sel $0xFFFF  }
0xc6: {  	[dreg:$0x0] =	wrdreg $0xFFFFFFFF;
	(pc) =	sbr.abs _section_cstart, $3  }
0xc7: {  	[dreg:$0x1] =	wrdreg $0xFFFFFFFF  }
0xc8: {  	_ =	task.clear_ibuf [dreg:s8], $0x2FFFF;
	_ =	strace $0x9FFFFFFF  }
0xc9: {  	(tm) =	ssettm $0x7FFFFFFF  }
tec
execute0_lowered:
.L_overlay_start_1:
0x0: {  	(tag) =	ssettag $0x1  }
0x1: {  	s3 =	rddreg [dreg:$0x0]  }
0x2: {  	s1 =	srdreg.scid;
	s4 =	rddreg [dreg:$0x1]  }
0x3: {  	s2 =	simm.s32 $0x0;
	s5 =	sand.u32 $0x1, s1;
	s1 =	rddreg [dreg:$0x2]  }
0x4: {  	s12 =	simm.s32 $0x18080;
	[smem:$0x7FF] =	sst s2  }
0x5: {  	s13 =	simm.s32 $0x18100;
	_ =	strace $0x80000047;
	[dreg:$0xc] =	wrdreg s12  }
0x6: {  	s14 =	simm.s32 $0x8800;
	[dreg:$0xd] =	wrdreg s13  }
0x7: {  	s15 =	simm.s32 $0x9000;
	[dreg:$0xe] =	wrdreg s14  }
0x8: {  	s16 =	simm.s32 $0x9800;
	[dreg:$0xf] =	wrdreg s15  }
0x9: {  	s17 =	simm.s32 $0xA000;
	[dreg:$0x10] =	wrdreg s16  }
0xa: {  	s18 =	simm.s32 $0xA800;
	[dreg:$0x11] =	wrdreg s17  }
0xb: {  	s19 =	simm.s32 $0xB000;
	[dreg:$0x12] =	wrdreg s18  }
0xc: {  	s20 =	simm.s32 $0xB800;
	[dreg:$0x13] =	wrdreg s19  }
0xd: {  	s21 =	simm.s32 $0xC000;
	[dreg:$0x14] =	wrdreg s20  }
0xe: {  	[dreg:$0x15] =	wrdreg s21;
	s12 =	simm.s32 $0x10800  }
0xf: {  	s0 =	stileid.u32;
	s13 =	simm.s32 $0x11000;
	[dreg:$0x1d] =	wrdreg s12  }
0x10: {  	s28 =	simm.s32 $0x4;
	s14 =	simm.s32 $0x11800;
	[dreg:$0x1e] =	wrdreg s13  }
0x11: {  	s29 =	simm.s32 $0x2;
	s15 =	simm.s32 $0x12000;
	[dreg:$0x1f] =	wrdreg s14  }
0x12: {  	s30 =	simm.s32 $0x3;
	s16 =	simm.s32 $0x12800;
	[smem:$0x7F2] =	sst s15  }
0x13: {  	s31 =	simm.s32 $0x7800;
	s17 =	simm.s32 $0x13000;
	[smem:$0x7F3] =	sst s16  }
0x14: {  	s6 =	sshll.u32 s0, $0x8;
	s18 =	simm.s32 $0x13800;
	[smem:$0x7F4] =	sst s17  }
0x15: {  	s7 =	sshll.u32 s5, $0x7;
	s19 =	simm.s32 $0x14000;
	[smem:$0x7F5] =	sst s18  }
0x16: {  	s5 =	ssub.s32 $0x2, s5;
	s20 =	simm.s32 $0x14800;
	[smem:$0x7F6] =	sst s19  }
0x17: {  	s21 =	simm.s32 $0x15000;
	s6 =	sor.u32 s7, s6;
	[smem:$0x7F7] =	sst s20  }
0x18: {  	s22 =	sshrl.u32 s5, $0x1;
	[smem:$0x7F8] =	sst s21;
	s12 =	simm.s32 $0x8000  }
0x19: {  	s13 =	simm.s32 $0x800;
	s14 =	simm.s32 $0x1000;
	s15 =	simm.s32 $0x1800  }
0x1a: {  	s16 =	simm.s32 $0x2000;
	s17 =	simm.s32 $0x2800;
	s18 =	simm.s32 $0x3000  }
0x1b: {  	s19 =	simm.s32 $0x3800;
	s20 =	simm.s32 $0x4000;
	s21 =	simm.s32 $0x4800  }
0x1c: {  	s7 =	sshrl.u32 s6, $0x3;
	s8 =	sshll.u32 s6, $0x7;
	s24 =	sor.u32 $0x20, s6  }
0x1d: {  	s9 =	sor.u32 $0x40, s6;
	s6 =	sor.u32 $0x60, s6;
	s7 =	sadd.s32 s4, s7  }
0x1e: {  	s8 =	sand.u32 $0x3C000, s8;
	s25 =	sshrl.u32 s24, $0x3;
	s0 =	sshrl.u32 s9, $0x3  }
0x1f: {  	s9 =	sshll.u32 s9, $0x7;
	[dreg:$0x4] =	wrdreg s7;
	s23 =	sadd.s32 s3, s8  }
0x20: {  	s11 =	sshrl.u32 s6, $0x3;
	s7 =	sadd.s32 s4, s25;
	[dreg:$0x5] =	wrdreg s23  }
0x21: {  	s8 =	sshll.u32 s24, $0x7;
	s25 =	simm.s32 $0xD000;
	[dreg:$0x6] =	wrdreg s7  }
0x22: {  	s10 =	sand.u32 $0x3E000, s9;
	s9 =	simm.s32 $0xE800;
	[dreg:$0x17] =	wrdreg s25  }
0x23: {  	s24 =	ssub.s32 s5, s22;
	s22 =	simm.s32 $0x15800;
	[dreg:$0x1a] =	wrdreg s9  }
0x24: {  	s6 =	sshll.u32 s6, $0x7;
	s7 =	sadd.s32 s3, s10;
	[smem:$0x7F9] =	sst s22  }
0x25: {  	s6 =	sand.u32 $0x3F000, s6;
	s23 =	simm.s32 $0xC800;
	[dreg:$0x9] =	wrdreg s7  }
0x26: {  	s5 =	sadd.s32 $0x2000, s1;
	s10 =	simm.s32 $0xF000;
	[dreg:$0x16] =	wrdreg s23  }
0x27: {  	s8 =	sand.u32 $0x3D000, s8;
	s25 =	simm.s32 $0x17000;
	[dreg:$0x1b] =	wrdreg s10  }
0x28: {  	s22 =	simm.s32 $0x5000;
	s26 =	sadd.s32 s3, s8;
	[smem:$0x7FC] =	sst s25  }
0x29: {  	s8 =	sadd.s32 s4, s0;
	s4 =	sadd.s32 s4, s11;
	[dreg:$0x7] =	wrdreg s26  }
0x2a: {  	s3 =	sadd.s32 s3, s6;
	s0 =	simm.s32 $0xE000;
	[dreg:$0x8] =	wrdreg s8  }
0x2b: {  	s6 =	sadd.s32 $0x2100, s1;
	s7 =	smax.u32 s24, $0x1;
	[dreg:$0xa] =	wrdreg s4  }
0x2c: {  	s11 =	simm.s32 $0xF800;
	s23 =	simm.s32 $0x16000;
	[dreg:$0xb] =	wrdreg s3  }
0x2d: {  	s24 =	simm.s32 $0x16800;
	s10 =	simm.s32 $0x18000;
	[dreg:$0x19] =	wrdreg s0  }
0x2e: {  	s25 =	simm.s32 $0x6800;
	s3 =	sadd.s32 $0x1E00, s1;
	[dreg:$0x1c] =	wrdreg s11  }
0x2f: {  	s4 =	sadd.s32 $0x1F00, s1;
	s26 =	simm.s32 $0xD800;
	[smem:$0x7FA] =	sst s23  }
0x30: {  	v2 =	vlaneseq.u32;
	s11 =	simm.s32 $0x1;
	[smem:$0x7FB] =	sst s24;
	s1 =	simm.s32 $0x6  }
0x31: {  	vm0 =	vmmov $0xffff;
	v1 =	vshrl.u32 v2, $0x3;
	s23 =	simm.s32 $0x5800;
	[dreg:$0x18] =	wrdreg s26;
	s26 =	simm.s32 $0x17800  }
0x32: {  	v0 =	vand.u32 $0x7, v2;
	v2 =	vor.u32 $0x8, v2;
	v1 =	vmul.u32 $0x8, v1;
	s24 =	simm.s32 $0x6000;
	[smem:$0x7FD] =	sst s26;
	s26 =	simm.s32 $0x7000  }
.LBB2_1:
0x33: {  	s0 =	rddreg [dreg:$0x4]  }
0x34: {  	s8 =	rddreg [dreg:$0x6]  }
0x35: {  	s9 =	rddreg [dreg:$0xc]  }
0x36: {  	[tilespmem:s10], [sflag:$0x1] =	stream.linear.gather [hbm4b:s0+s2], $0x20, $0x38;
	[tilespmem:$0x18180] =	vst v63  }
0x37: {  	s0 =	rddreg [dreg:$0x5]  }
0x38: {  	[tilespmem:s2], [sflag:$0x1] =	stream.linear.gather [hbm4b:s0+s2], $0x8000, $0x38;
	[tilespmem:$0x18180] =	vst v63  }
0x39: {  	s0 =	rddreg [dreg:$0x7]  }
0x3a: {  	[tilespmem:s9], [sflag:$0x2] =	stream.linear.gather [hbm4b:s8+s2], $0x20, $0x38;
	[tilespmem:$0x18180] =	vst v63  }
0x3b: {  	s8 =	rddreg [dreg:$0x8]  }
0x3c: {  	[tilespmem:s12], [sflag:$0x2] =	stream.linear.gather [hbm4b:s0+s2], $0x8000, $0x38;
	[tilespmem:$0x18180] =	vst v63  }
0x3d: {  	s9 =	rddreg [dreg:$0xd]  }
0x3e: {  	[tilespmem:s9], [sflag:$0x3] =	stream.linear.gather [hbm4b:s8+s2], $0x20, $0x38;
	[tilespmem:$0x18180] =	vst v63  }
0x3f: {  	s0 =	rddreg [dreg:$0x9];
	s9 =	simm.s32 $0x10000  }
0x40: {  	[tilespmem:s9], [sflag:$0x3] =	stream.linear.gather [hbm4b:s0+s2], $0x8000, $0x38;
	[tilespmem:$0x18180] =	vst v63  }
0x41: {  	_ =	swait.ge [sflag:s11], $0x20  }
0x42: {  	[sflag:s11] =	ssyncset.done $0x0  }
0x43: {  	[sflag:s11] =	ssyncadd.s32 $0xFFFFFFE0  }
0x44: {  	_ =	swait.ge [sflag:s11], $0x8000  }
0x45: {  	[sflag:s11] =	ssyncset.done $0x0  }
0x46: {  	[sflag:s11] =	ssyncadd.s32 $0xFFFF8000  }
0x47: {  	v3 =	vld [tilespmem:$0x18000];
	_ =	sdelay $0x4  }
0x48: {  	v4 =	vshll.u32 v3, $0x3  }
0x49: {  	v3 =	vand.u32 $0x7, v3;
	v4 =	vand.u32 $0xFFFFFFC0, v4  }
0x4a: {  	v3 =	vor.u32 v3, v4  }
0x4b: {  	v4 =	vperm.xlane v3, v0;
	_ =	sdelay $0x1  }
0x4c: {  	v4 =	vadd.s32 v1, v4;
	_ =	sdelay $0x4  }
0x4d: {  	[hbm4b:s3+s2] =	stream.indirect_vreg.scatter [tilespmem:s2], [sflag:$0x4], $0x80, v4, vm0, $0xb8;
	[tilespmem:$0x18180] =	vst v63  }
0x4e: {  	v3 =	vperm.xlane v3, v2  }
0x4f: {  	[hbm4b:s4+s2] =	stream.indirect_vreg.scatter [tilespmem:s13], [sflag:$0x4], $0x80, v4, vm0, $0xb8;
	[tilespmem:$0x18180] =	vst v63  }
0x50: {  	v3 =	vadd.s32 v1, v3  }
0x51: {  	[hbm4b:s5+s2] =	stream.indirect_vreg.scatter [tilespmem:s14], [sflag:$0x4], $0x80, v4, vm0, $0xb8;
	[tilespmem:$0x18180] =	vst v63  }
0x52: {  	_ = 	snop  }
0x53: {  	[hbm4b:s6+s2] =	stream.indirect_vreg.scatter [tilespmem:s15], [sflag:$0x4], $0x80, v4, vm0, $0xb8;
	[tilespmem:$0x18180] =	vst v63  }
0x54: {  	_ = 	snop  }
0x55: {  	[hbm4b:s3+s2] =	stream.indirect_vreg.scatter [tilespmem:s16], [sflag:$0x4], $0x80, v3, vm0, $0xb8;
	[tilespmem:$0x18180] =	vst v63  }
0x56: {  	_ = 	snop  }
0x57: {  	[hbm4b:s4+s2] =	stream.indirect_vreg.scatter [tilespmem:s17], [sflag:$0x4], $0x80, v3, vm0, $0xb8;
	[tilespmem:$0x18180] =	vst v63  }
0x58: {  	_ = 	snop  }
0x59: {  	[hbm4b:s5+s2] =	stream.indirect_vreg.scatter [tilespmem:s18], [sflag:$0x4], $0x80, v3, vm0, $0xb8;
	[tilespmem:$0x18180] =	vst v63  }
0x5a: {  	_ = 	snop  }
0x5b: {  	[hbm4b:s6+s2] =	stream.indirect_vreg.scatter [tilespmem:s19], [sflag:$0x4], $0x80, v3, vm0, $0xb8;
	[tilespmem:$0x18180] =	vst v63  }
0x5c: {  	v3 =	vld [tilespmem:$0x18010];
	_ =	sdelay $0x4  }
0x5d: {  	v57 =	vshll.u32 v3, $0x3  }
0x5e: {  	v3 =	vand.u32 $0x7, v3;
	v4 =	vand.u32 $0xFFFFFFC0, v57  }
0x5f: {  	v3 =	vor.u32 v3, v4  }
0x60: {  	v4 =	vperm.xlane v3, v0;
	_ =	sdelay $0x1  }
0x61: {  	v4 =	vadd.s32 v1, v4;
	_ =	sdelay $0x4  }
0x62: {  	[hbm4b:s3+s2] =	stream.indirect_vreg.scatter [tilespmem:s20], [sflag:$0x4], $0x80, v4, vm0, $0xb8;
	[tilespmem:$0x18180] =	vst v63  }
0x63: {  	v3 =	vperm.xlane v3, v2  }
0x64: {  	[hbm4b:s4+s2] =	stream.indirect_vreg.scatter [tilespmem:s21], [sflag:$0x4], $0x80, v4, vm0, $0xb8;
	[tilespmem:$0x18180] =	vst v63  }
0x65: {  	v3 =	vadd.s32 v1, v3  }
0x66: {  	[hbm4b:s5+s2] =	stream.indirect_vreg.scatter [tilespmem:s22], [sflag:$0x4], $0x80, v4, vm0, $0xb8;
	[tilespmem:$0x18180] =	vst v63  }
0x67: {  	_ = 	snop  }
0x68: {  	[hbm4b:s6+s2] =	stream.indirect_vreg.scatter [tilespmem:s23], [sflag:$0x4], $0x80, v4, vm0, $0xb8;
	[tilespmem:$0x18180] =	vst v63  }
0x69: {  	_ = 	snop  }
0x6a: {  	[hbm4b:s3+s2] =	stream.indirect_vreg.scatter [tilespmem:s24], [sflag:$0x4], $0x80, v3, vm0, $0xb8;
	[tilespmem:$0x18180] =	vst v63  }
0x6b: {  	_ = 	snop  }
0x6c: {  	[hbm4b:s4+s2] =	stream.indirect_vreg.scatter [tilespmem:s25], [sflag:$0x4], $0x80, v3, vm0, $0xb8;
	[tilespmem:$0x18180] =	vst v63  }
0x6d: {  	_ = 	snop  }
0x6e: {  	[hbm4b:s5+s2] =	stream.indirect_vreg.scatter [tilespmem:s26], [sflag:$0x4], $0x80, v3, vm0, $0xb8;
	[tilespmem:$0x18180] =	vst v63  }
0x6f: {  	_ = 	snop  }
0x70: {  	[hbm4b:s6+s2] =	stream.indirect_vreg.scatter [tilespmem:s31], [sflag:$0x4], $0x80, v3, vm0, $0xb8;
	[tilespmem:$0x18180] =	vst v63  }
0x71: {  	_ =	swait.ge [sflag:s28], $0x8000  }
0x72: {  	[sflag:s28] =	ssyncset.done $0x0  }
0x73: {  	s0 =	rddreg [dreg:$0xa];
	[sflag:s28] =	ssyncadd.s32 $0xFFFF8000  }
0x74: {  	[tilespmem:s10], [sflag:$0x1] =	stream.linear.gather [hbm4b:s0+s2], $0x20, $0x38;
	[tilespmem:$0x18180] =	vst v63  }
0x75: {  	s8 =	rddreg [dreg:$0xb]  }
0x76: {  	[tilespmem:s2], [sflag:$0x1] =	stream.linear.gather [hbm4b:s8+s2], $0x8000, $0x38;
	[tilespmem:$0x18180] =	vst v63  }
0x77: {  	_ =	swait.ge [sflag:s29], $0x20  }
0x78: {  	[sflag:s29] =	ssyncset.done $0x0  }
0x79: {  	[sflag:s29] =	ssyncadd.s32 $0xFFFFFFE0  }
0x7a: {  	_ =	swait.ge [sflag:s29], $0x8000  }
0x7b: {  	[sflag:s29] =	ssyncset.done $0x0  }
0x7c: {  	[sflag:s29] =	ssyncadd.s32 $0xFFFF8000  }
0x7d: {  	v3 =	vld [tilespmem:$0x18080];
	_ =	sdelay $0x4  }
0x7e: {  	v58 =	vshll.u32 v3, $0x3  }
0x7f: {  	v3 =	vand.u32 $0x7, v3;
	v4 =	vand.u32 $0xFFFFFFC0, v58  }
0x80: {  	v3 =	vor.u32 v3, v4  }
0x81: {  	v4 =	vperm.xlane v3, v0;
	_ =	sdelay $0x1  }
0x82: {  	v4 =	vadd.s32 v1, v4;
	_ =	sdelay $0x4  }
0x83: {  	[hbm4b:s3+s2] =	stream.indirect_vreg.scatter [tilespmem:s12], [sflag:$0x5], $0x80, v4, vm0, $0xb8;
	[tilespmem:$0x18180] =	vst v63  }
0x84: {  	s0 =	rddreg [dreg:$0xe];
	v3 =	vperm.xlane v3, v2  }
0x85: {  	[hbm4b:s4+s2] =	stream.indirect_vreg.scatter [tilespmem:s0], [sflag:$0x5], $0x80, v4, vm0, $0xb8;
	[tilespmem:$0x18180] =	vst v63  }
0x86: {  	s8 =	rddreg [dreg:$0xf];
	v3 =	vadd.s32 v1, v3  }
0x87: {  	[hbm4b:s5+s2] =	stream.indirect_vreg.scatter [tilespmem:s8], [sflag:$0x5], $0x80, v4, vm0, $0xb8;
	[tilespmem:$0x18180] =	vst v63  }
0x88: {  	s0 =	rddreg [dreg:$0x10]  }
0x89: {  	[hbm4b:s6+s2] =	stream.indirect_vreg.scatter [tilespmem:s0], [sflag:$0x5], $0x80, v4, vm0, $0xb8;
	[tilespmem:$0x18180] =	vst v63  }
0x8a: {  	s8 =	rddreg [dreg:$0x11]  }
0x8b: {  	[hbm4b:s3+s2] =	stream.indirect_vreg.scatter [tilespmem:s8], [sflag:$0x5], $0x80, v3, vm0, $0xb8;
	[tilespmem:$0x18180] =	vst v63  }
0x8c: {  	s0 =	rddreg [dreg:$0x12]  }
0x8d: {  	[hbm4b:s4+s2] =	stream.indirect_vreg.scatter [tilespmem:s0], [sflag:$0x5], $0x80, v3, vm0, $0xb8;
	[tilespmem:$0x18180] =	vst v63  }
0x8e: {  	s8 =	rddreg [dreg:$0x13]  }
0x8f: {  	[hbm4b:s5+s2] =	stream.indirect_vreg.scatter [tilespmem:s8], [sflag:$0x5], $0x80, v3, vm0, $0xb8;
	[tilespmem:$0x18180] =	vst v63  }
0x90: {  	s0 =	rddreg [dreg:$0x14]  }
0x91: {  	[hbm4b:s6+s2] =	stream.indirect_vreg.scatter [tilespmem:s0], [sflag:$0x5], $0x80, v3, vm0, $0xb8;
	[tilespmem:$0x18180] =	vst v63  }
0x92: {  	v3 =	vld [tilespmem:$0x18090];
	_ =	sdelay $0x4  }
0x93: {  	v59 =	vshll.u32 v3, $0x3  }
0x94: {  	v3 =	vand.u32 $0x7, v3;
	v4 =	vand.u32 $0xFFFFFFC0, v59  }
0x95: {  	v3 =	vor.u32 v3, v4  }
0x96: {  	v4 =	vperm.xlane v3, v0;
	_ =	sdelay $0x1  }
0x97: {  	v4 =	vadd.s32 v1, v4;
	_ =	sdelay $0x3  }
0x98: {  	s0 =	rddreg [dreg:$0x15]  }
0x99: {  	[hbm4b:s3+s2] =	stream.indirect_vreg.scatter [tilespmem:s0], [sflag:$0x5], $0x80, v4, vm0, $0xb8;
	[tilespmem:$0x18180] =	vst v63  }
0x9a: {  	s8 =	rddreg [dreg:$0x16];
	v3 =	vperm.xlane v3, v2  }
0x9b: {  	[hbm4b:s4+s2] =	stream.indirect_vreg.scatter [tilespmem:s8], [sflag:$0x5], $0x80, v4, vm0, $0xb8;
	[tilespmem:$0x18180] =	vst v63  }
0x9c: {  	v3 =	vadd.s32 v1, v3;
	s0 =	rddreg [dreg:$0x17]  }
0x9d: {  	[hbm4b:s5+s2] =	stream.indirect_vreg.scatter [tilespmem:s0], [sflag:$0x5], $0x80, v4, vm0, $0xb8;
	[tilespmem:$0x18180] =	vst v63  }
0x9e: {  	s8 =	rddreg [dreg:$0x18]  }
0x9f: {  	[hbm4b:s6+s2] =	stream.indirect_vreg.scatter [tilespmem:s8], [sflag:$0x5], $0x80, v4, vm0, $0xb8;
	[tilespmem:$0x18180] =	vst v63  }
0xa0: {  	s0 =	rddreg [dreg:$0x19]  }
0xa1: {  	[hbm4b:s3+s2] =	stream.indirect_vreg.scatter [tilespmem:s0], [sflag:$0x5], $0x80, v3, vm0, $0xb8;
	[tilespmem:$0x18180] =	vst v63  }
0xa2: {  	s8 =	rddreg [dreg:$0x1a]  }
0xa3: {  	[hbm4b:s4+s2] =	stream.indirect_vreg.scatter [tilespmem:s8], [sflag:$0x5], $0x80, v3, vm0, $0xb8;
	[tilespmem:$0x18180] =	vst v63  }
0xa4: {  	s0 =	rddreg [dreg:$0x1b]  }
0xa5: {  	[hbm4b:s5+s2] =	stream.indirect_vreg.scatter [tilespmem:s0], [sflag:$0x5], $0x80, v3, vm0, $0xb8;
	[tilespmem:$0x18180] =	vst v63  }
0xa6: {  	s8 =	rddreg [dreg:$0x1c]  }
0xa7: {  	[hbm4b:s6+s2] =	stream.indirect_vreg.scatter [tilespmem:s8], [sflag:$0x5], $0x80, v3, vm0, $0xb8;
	[tilespmem:$0x18180] =	vst v63  }
0xa8: {  	_ =	swait.ge [sflag:s30], $0x20  }
0xa9: {  	[sflag:s30] =	ssyncset.done $0x0  }
0xaa: {  	[sflag:s30] =	ssyncadd.s32 $0xFFFFFFE0  }
0xab: {  	_ =	swait.ge [sflag:s30], $0x8000  }
0xac: {  	[sflag:s30] =	ssyncset.done $0x0  }
0xad: {  	[sflag:s30] =	ssyncadd.s32 $0xFFFF8000  }
0xae: {  	v3 =	vld [tilespmem:$0x18100];
	_ =	sdelay $0x4  }
0xaf: {  	v60 =	vshll.u32 v3, $0x3  }
0xb0: {  	v3 =	vand.u32 $0x7, v3;
	v4 =	vand.u32 $0xFFFFFFC0, v60  }
0xb1: {  	v3 =	vor.u32 v3, v4  }
0xb2: {  	v4 =	vperm.xlane v3, v0;
	_ =	sdelay $0x1  }
0xb3: {  	v4 =	vadd.s32 v1, v4;
	_ =	sdelay $0x3  }
0xb4: {  	s0 =	rddreg [dreg:$0x1d]  }
0xb5: {  	[hbm4b:s3+s2] =	stream.indirect_vreg.scatter [tilespmem:s9], [sflag:$0x6], $0x80, v4, vm0, $0xb8;
	[tilespmem:$0x18180] =	vst v63  }
0xb6: {  	s8 =	rddreg [dreg:$0x1e];
	v3 =	vperm.xlane v3, v2  }
0xb7: {  	[hbm4b:s4+s2] =	stream.indirect_vreg.scatter [tilespmem:s0], [sflag:$0x6], $0x80, v4, vm0, $0xb8;
	[tilespmem:$0x18180] =	vst v63  }
0xb8: {  	v3 =	vadd.s32 v1, v3;
	s9 =	rddreg [dreg:$0x1f]  }
0xb9: {  	[hbm4b:s5+s2] =	stream.indirect_vreg.scatter [tilespmem:s8], [sflag:$0x6], $0x80, v4, vm0, $0xb8;
	[tilespmem:$0x18180] =	vst v63  }
0xba: {  	s8 =	sld [smem:$0x7F2]  }
0xbb: {  	[hbm4b:s6+s2] =	stream.indirect_vreg.scatter [tilespmem:s9], [sflag:$0x6], $0x80, v4, vm0, $0xb8;
	[tilespmem:$0x18180] =	vst v63  }
0xbc: {  	s9 =	sld [smem:$0x7F3]  }
0xbd: {  	[hbm4b:s3+s2] =	stream.indirect_vreg.scatter [tilespmem:s8], [sflag:$0x6], $0x80, v3, vm0, $0xb8;
	[tilespmem:$0x18180] =	vst v63  }
0xbe: {  	s8 =	sld [smem:$0x7F4]  }
0xbf: {  	[hbm4b:s4+s2] =	stream.indirect_vreg.scatter [tilespmem:s9], [sflag:$0x6], $0x80, v3, vm0, $0xb8;
	[tilespmem:$0x18180] =	vst v63  }
0xc0: {  	s9 =	sld [smem:$0x7F5]  }
0xc1: {  	[hbm4b:s5+s2] =	stream.indirect_vreg.scatter [tilespmem:s8], [sflag:$0x6], $0x80, v3, vm0, $0xb8;
	[tilespmem:$0x18180] =	vst v63  }
0xc2: {  	_ = 	snop  }
0xc3: {  	[hbm4b:s6+s2] =	stream.indirect_vreg.scatter [tilespmem:s9], [sflag:$0x6], $0x80, v3, vm0, $0xb8;
	[tilespmem:$0x18180] =	vst v63  }
0xc4: {  	v3 =	vld [tilespmem:$0x18110];
	_ =	sdelay $0x4  }
0xc5: {  	v61 =	vshll.u32 v3, $0x3  }
0xc6: {  	v3 =	vand.u32 $0x7, v3;
	v4 =	vand.u32 $0xFFFFFFC0, v61  }
0xc7: {  	v3 =	vor.u32 v3, v4  }
0xc8: {  	v4 =	vperm.xlane v3, v0;
	_ =	sdelay $0x1  }
0xc9: {  	v4 =	vadd.s32 v1, v4;
	_ =	sdelay $0x1  }
0xca: {  	s8 =	sld [smem:$0x7F6];
	_ =	sdelay $0x1  }
0xcb: {  	s9 =	sld [smem:$0x7F7]  }
0xcc: {  	[hbm4b:s3+s2] =	stream.indirect_vreg.scatter [tilespmem:s8], [sflag:$0x6], $0x80, v4, vm0, $0xb8;
	[tilespmem:$0x18180] =	vst v63  }
0xcd: {  	s0 =	sld [smem:$0x7F8];
	v3 =	vperm.xlane v3, v2  }
0xce: {  	[hbm4b:s4+s2] =	stream.indirect_vreg.scatter [tilespmem:s9], [sflag:$0x6], $0x80, v4, vm0, $0xb8;
	[tilespmem:$0x18180] =	vst v63  }
0xcf: {  	v3 =	vadd.s32 v1, v3;
	s9 =	sld [smem:$0x7F9]  }
0xd0: {  	[hbm4b:s5+s2] =	stream.indirect_vreg.scatter [tilespmem:s0], [sflag:$0x6], $0x80, v4, vm0, $0xb8;
	[tilespmem:$0x18180] =	vst v63  }
0xd1: {  	s0 =	sld [smem:$0x7FA]  }
0xd2: {  	[hbm4b:s6+s2] =	stream.indirect_vreg.scatter [tilespmem:s9], [sflag:$0x6], $0x80, v4, vm0, $0xb8;
	[tilespmem:$0x18180] =	vst v63  }
0xd3: {  	s9 =	sld [smem:$0x7FB]  }
0xd4: {  	[hbm4b:s3+s2] =	stream.indirect_vreg.scatter [tilespmem:s0], [sflag:$0x6], $0x80, v3, vm0, $0xb8;
	[tilespmem:$0x18180] =	vst v63  }
0xd5: {  	s0 =	sld [smem:$0x7FC]  }
0xd6: {  	[hbm4b:s4+s2] =	stream.indirect_vreg.scatter [tilespmem:s9], [sflag:$0x6], $0x80, v3, vm0, $0xb8;
	[tilespmem:$0x18180] =	vst v63  }
0xd7: {  	s9 =	sld [smem:$0x7FD]  }
0xd8: {  	[hbm4b:s5+s2] =	stream.indirect_vreg.scatter [tilespmem:s0], [sflag:$0x6], $0x80, v3, vm0, $0xb8;
	[tilespmem:$0x18180] =	vst v63  }
0xd9: {  	_ = 	snop  }
0xda: {  	[hbm4b:s6+s2] =	stream.indirect_vreg.scatter [tilespmem:s9], [sflag:$0x6], $0x80, v3, vm0, $0xb8;
	[tilespmem:$0x18180] =	vst v63  }
0xdb: {  	_ =	swait.ge [sflag:s11], $0x20  }
0xdc: {  	[sflag:s11] =	ssyncset.done $0x0  }
0xdd: {  	[sflag:s11] =	ssyncadd.s32 $0xFFFFFFE0  }
0xde: {  	_ =	swait.ge [sflag:s11], $0x8000  }
0xdf: {  	[sflag:s11] =	ssyncset.done $0x0  }
0xe0: {  	[sflag:s11] =	ssyncadd.s32 $0xFFFF8000  }
0xe1: {  	v3 =	vld [tilespmem:$0x18000];
	_ =	sdelay $0x4  }
0xe2: {  	v62 =	vshll.u32 v3, $0x3  }
0xe3: {  	v3 =	vand.u32 $0x7, v3;
	v4 =	vand.u32 $0xFFFFFFC0, v62  }
0xe4: {  	v3 =	vor.u32 v3, v4  }
0xe5: {  	v4 =	vperm.xlane v3, v0;
	_ =	sdelay $0x1  }
0xe6: {  	v4 =	vadd.s32 v1, v4;
	_ =	sdelay $0x4  }
0xe7: {  	[hbm4b:s3+s2] =	stream.indirect_vreg.scatter [tilespmem:s2], [sflag:$0x4], $0x80, v4, vm0, $0xb8;
	[tilespmem:$0x18180] =	vst v63  }
0xe8: {  	v3 =	vperm.xlane v3, v2  }
0xe9: {  	[hbm4b:s4+s2] =	stream.indirect_vreg.scatter [tilespmem:s13], [sflag:$0x4], $0x80, v4, vm0, $0xb8;
	[tilespmem:$0x18180] =	vst v63  }
0xea: {  	v3 =	vadd.s32 v1, v3  }
0xeb: {  	[hbm4b:s5+s2] =	stream.indirect_vreg.scatter [tilespmem:s14], [sflag:$0x4], $0x80, v4, vm0, $0xb8;
	[tilespmem:$0x18180] =	vst v63  }
0xec: {  	_ = 	snop  }
0xed: {  	[hbm4b:s6+s2] =	stream.indirect_vreg.scatter [tilespmem:s15], [sflag:$0x4], $0x80, v4, vm0, $0xb8;
	[tilespmem:$0x18180] =	vst v63  }
0xee: {  	_ = 	snop  }
0xef: {  	[hbm4b:s3+s2] =	stream.indirect_vreg.scatter [tilespmem:s16], [sflag:$0x4], $0x80, v3, vm0, $0xb8;
	[tilespmem:$0x18180] =	vst v63  }
0xf0: {  	_ = 	snop  }
0xf1: {  	[hbm4b:s4+s2] =	stream.indirect_vreg.scatter [tilespmem:s17], [sflag:$0x4], $0x80, v3, vm0, $0xb8;
	[tilespmem:$0x18180] =	vst v63  }
0xf2: {  	_ = 	snop  }
0xf3: {  	[hbm4b:s5+s2] =	stream.indirect_vreg.scatter [tilespmem:s18], [sflag:$0x4], $0x80, v3, vm0, $0xb8;
	[tilespmem:$0x18180] =	vst v63  }
0xf4: {  	_ = 	snop  }
0xf5: {  	[hbm4b:s6+s2] =	stream.indirect_vreg.scatter [tilespmem:s19], [sflag:$0x4], $0x80, v3, vm0, $0xb8;
	[tilespmem:$0x18180] =	vst v63  }
0xf6: {  	v3 =	vld [tilespmem:$0x18010];
	_ =	sdelay $0x4  }
0xf7: {  	v63 =	vshll.u32 v3, $0x3  }
0xf8: {  	v3 =	vand.u32 $0x7, v3;
	v4 =	vand.u32 $0xFFFFFFC0, v63  }
0xf9: {  	v3 =	vor.u32 v3, v4  }
0xfa: {  	v4 =	vperm.xlane v3, v0;
	_ =	sdelay $0x1  }
0xfb: {  	v4 =	vadd.s32 v1, v4;
	_ =	sdelay $0x4  }
0xfc: {  	[hbm4b:s3+s2] =	stream.indirect_vreg.scatter [tilespmem:s20], [sflag:$0x4], $0x80, v4, vm0, $0xb8;
	[tilespmem:$0x18180] =	vst v63  }
0xfd: {  	v3 =	vperm.xlane v3, v2  }
0xfe: {  	[hbm4b:s4+s2] =	stream.indirect_vreg.scatter [tilespmem:s21], [sflag:$0x4], $0x80, v4, vm0, $0xb8;
	[tilespmem:$0x18180] =	vst v63  }
0xff: {  	v3 =	vadd.s32 v1, v3  }
0x100: {  	[hbm4b:s5+s2] =	stream.indirect_vreg.scatter [tilespmem:s22], [sflag:$0x4], $0x80, v4, vm0, $0xb8;
	[tilespmem:$0x18180] =	vst v63  }
0x101: {  	_ = 	snop  }
0x102: {  	[hbm4b:s6+s2] =	stream.indirect_vreg.scatter [tilespmem:s23], [sflag:$0x4], $0x80, v4, vm0, $0xb8;
	[tilespmem:$0x18180] =	vst v63  }
0x103: {  	_ = 	snop  }
0x104: {  	[hbm4b:s3+s2] =	stream.indirect_vreg.scatter [tilespmem:s24], [sflag:$0x4], $0x80, v3, vm0, $0xb8;
	[tilespmem:$0x18180] =	vst v63  }
0x105: {  	_ = 	snop  }
0x106: {  	[hbm4b:s4+s2] =	stream.indirect_vreg.scatter [tilespmem:s25], [sflag:$0x4], $0x80, v3, vm0, $0xb8;
	[tilespmem:$0x18180] =	vst v63  }
0x107: {  	_ = 	snop  }
0x108: {  	[hbm4b:s5+s2] =	stream.indirect_vreg.scatter [tilespmem:s26], [sflag:$0x4], $0x80, v3, vm0, $0xb8;
	[tilespmem:$0x18180] =	vst v63  }
0x109: {  	s9 =	simm.s32 $0x5  }
0x10a: {  	[hbm4b:s6+s2] =	stream.indirect_vreg.scatter [tilespmem:s31], [sflag:$0x4], $0x80, v3, vm0, $0xb8;
	[tilespmem:$0x18180] =	vst v63  }
0x10b: {  	_ =	swait.ge [sflag:s9], $0x8000  }
0x10c: {  	[sflag:s9] =	ssyncset.done $0x0  }
0x10d: {  	[sflag:s9] =	ssyncadd.s32 $0xFFFF8000  }
0x10e: {  	p0 =	sne.s32 s7, $0x1;
	_ =	swait.ge [sflag:s1], $0x8000  }
.Ltmp0:
0x10f: {  	[sflag:s1] =	ssyncset.done $0x0;
	(pc) =	sbr.rel @p0 .LBB2_1-.Ltmp0, $4  }
0x110: {  	[sflag:s1] =	ssyncadd.s32 $0xFFFF8000  }
0x111: {  	_ =	swait.ge [sflag:s28], $0x8000  }
0x112: {  	[sflag:s28] =	ssyncset.done $0x0  }
0x113: {  	s7 =	sadd.s32 $0xFFFFFFFF, s7;
	[sflag:s28] =	ssyncadd.s32 $0xFFFF8000  }
0x114: {  	_ =	sfence.sel $0x180000  }
0x115: {  	[bflag:$0x0] =	sbarrier.arrive $0xFFFF  }
0x116: {  	_ =	strace $0x90000047  }
0x117: {  	s0 =	stileid.u32;
	[bflag:$0x2] =	sbarrier.arrive $0xFFFF  }
0x118: {  	p0 =	sne.s32 s0, $0x0;
	s0 =	rddreg [dreg:$0x3]  }
0x119: {  	s0 =	sadd.s32 @!p0 $0x100000, s0  }
0x11a: {  	[sflag:s0] =	ssyncadd.tile.s32 @!p0 $0x1;
	_ =	shalt  }
.Lfunc_end2:
_tile_overlayer_lowered:
.L_overlay_start_2:
0x11b: {  	(tag) =	ssettag $0x2  }
0x11c: {  	s0 =	rddreg [dreg:$0x0];
	s2 =	stileid.u32  }
0x11d: {  	s1 =	rddreg [dreg:$0x1];
	p0 =	sne.s32 s2, $0x0  }
0x11e: {  	s3 =	rddreg [dreg:$0x2];
	[bflag:$0x3] =	sbarrier.arrive $0xFFFF;
	s2 =	simm.s32 @!p0 $0x1C07  }
0x11f: {  	[timem:s3], [sflag:s2] =	dma.local @!p0 [hbm:s0], s1  }
0x120: {  	s0 =	simm.s32 @!p0 $0x7  }
0x121: {  	_ =	swait.ge @!p0 [sflag:s0], s1  }
0x122: {  	s1 =	ssub.s32 @!p0 $0x0, s1;
	[sflag:s0] =	ssyncset.done @!p0 $0x0  }
0x123: {  	[sflag:s0] =	ssyncadd.s32 @!p0 s1  }
0x124: {  	[bflag:$0x3] =	sbarrier.arrive $0xFFFF  }
0x125: {  	_ =	shalt  }

</sc_bundles>
